<compile_context>
chip_gen: v7x
topology: tpu7x:2x2x1
jax: 0.10.2.dev20260603
libtpu: 0.0.44.dev20260713+nightly
codegen_flags: <defaults>
</compile_context>

<pallas_src>
import functools

import jax
import jax.numpy as jnp
import numpy as np
from jax import lax
from jax.experimental import pallas as pl
from jax.experimental.pallas import tpu as pltpu
from jax.experimental.pallas import tpu_sc as plsc

_DATA_STD = np.array([0.229, 0.224, 0.225], dtype=np.float32)
_DATA_SCALING = float(1.0 / _DATA_STD.min())

_B, _C, _D = 256, 1000, 512
_NW = 32
_RPW = _B // _NW
_L = 16
_NFULL = _C // _L

_GDN = lax.GatherDimensionNumbers(
    offset_dims=(), collapsed_slice_dims=(0,), start_index_map=(0,)
)


def _vperm(x, idx):
    return lax.gather(
        x, idx[:, None], _GDN, (1,),
        mode=lax.GatherScatterMode.PROMISE_IN_BOUNDS,
    )


def _sc_body(pred_hbm, jpad_hbm, *refs):
    bufs, jv, sem = refs[:_RPW], refs[_RPW], refs[_RPW + 1]
    info = plsc.get_sparse_core_info()
    nc = info.num_cores
    wid = lax.axis_index("s") * nc + lax.axis_index("c")
    base = wid * _RPW

    cps = [
        pltpu.async_copy(pred_hbm.at[base + r], bufs[r], sem)
        for r in range(_RPW)
    ]
    for cp in cps:
        cp.wait()

    lane = lax.broadcasted_iota(jnp.int32, (_L,), 0)

    def chunk(i, carry):
        idx = i * _L + lane
        out = []
        for r in range(_RPW):
            m, bi = carry[2 * r], carry[2 * r + 1]
            v = bufs[r][pl.ds(i * _L, _L)]
            upd = v > m
            out.append(jnp.where(upd, v, m))
            out.append(jnp.where(upd, idx, bi))
        return tuple(out)

    m0 = jnp.full((_L,), -jnp.inf, jnp.float32)
    init = (m0, jnp.zeros((_L,), jnp.int32)) * _RPW
    carry = lax.fori_loop(0, _NFULL, chunk, init, unroll=2)

    jvec = jnp.zeros((_L,), jnp.int32)
    tidx = (_C - _L) + lane
    for r in range(_RPW):
        m, bi = carry[2 * r], carry[2 * r + 1]
        tv = bufs[r][pl.ds(_C - _L, _L)]
        upd = tv > m
        m = jnp.where(upd, tv, m)
        bi = jnp.where(upd, tidx, bi)
        for s in (8, 4, 2, 1):
            perm = jnp.bitwise_xor(lane, s)
            pm = _vperm(m, perm)
            pb = _vperm(bi, perm)
            take = (pm > m) | ((pm == m) & (pb < bi))
            m = jnp.where(take, pm, m)
            bi = jnp.where(take, pb, bi)
        jvec = jnp.where(lane == r, bi, jvec)

    jv[...] = jvec
    pltpu.sync_copy(jv.at[pl.ds(0, _RPW)], jpad_hbm.at[pl.ds(base, _RPW)])


@functools.cache
def _make_sc_call():
    return functools.partial(
        pl.kernel,
        mesh=plsc.VectorSubcoreMesh(core_axis_name="c", subcore_axis_name="s"),
        out_type=jax.ShapeDtypeStruct((_B,), jnp.int32),
        scratch_types=[pltpu.VMEM((_C,), jnp.float32)] * _RPW + [
            pltpu.VMEM((_L,), jnp.int32),
            pltpu.SemaphoreType.DMA,
        ],
    )(_sc_body)


def _tc_body(pred_ref, w_ref, j_ref, k_ref, out_ref):
    W = w_ref[...]
    pred = pred_ref[...]
    j = lax.transpose(j_ref[...], (1, 0))
    K = k_ref[0, 0]

    colid = lax.broadcasted_iota(jnp.int32, (_B, _C), 1)
    onehot = jnp.where(colid == j, 1.0, 0.0)
    Wj = lax.dot_general(onehot, W, (((1,), (0,)), ((), ())),
                         preferred_element_type=jnp.float32)

    inv_n = lax.rsqrt(jnp.sum(W * W, axis=1))
    inv_nj = lax.rsqrt(jnp.sum(Wj * Wj, axis=1, keepdims=True))
    S = lax.dot_general(Wj, W, (((1,), (1,)), ((), ())),
                        preferred_element_type=jnp.float32)
    cos = S * inv_n[None, :] * inv_nj
    kij = K * jnp.sqrt(jnp.maximum(2.0 - 2.0 * cos, 0.0))

    y = jnp.max(pred, axis=1, keepdims=True)
    margins = y - pred
    ratios = jnp.where(colid == j, jnp.inf, margins / kij)
    rmin = jnp.min(ratios, axis=1)
    out_ref[0, 0] = jnp.sum(rmin) * (1.0 / _B)


def _tc_call(pred, W, j, k):
    return pl.pallas_call(
        _tc_body,
        out_shape=jax.ShapeDtypeStruct((1, 1), jnp.float32),
        in_specs=[
            pl.BlockSpec(memory_space=pltpu.VMEM),
            pl.BlockSpec(memory_space=pltpu.VMEM),
            pl.BlockSpec(memory_space=pltpu.VMEM),
            pl.BlockSpec(memory_space=pltpu.SMEM),
        ],
        out_specs=pl.BlockSpec(memory_space=pltpu.SMEM),
    )(pred, W, j, k)


def kernel(prediction, target, W, K_model, Kfc):
    k = (K_model / Kfc * _DATA_SCALING).astype(jnp.float32).reshape(1, 1)
    jflat = _make_sc_call()(prediction)
    out = _tc_call(prediction, W, jflat.reshape(1, _B), k)
    return out[0, 0]

# --- scband reference (transcript-rebuilt; emitter-appended) ---
"""Pipeline reference for scband-margin-ratio-32676111188446 (READ-ONLY COPY).

The authoritative reference and input builder live on the scoring server;
editing this copy changes nothing except your own understanding.
"""

import jax, jax.numpy as jnp
import numpy as np

DATA_STD = np.array([0.229, 0.224, 0.225], dtype=np.float32)
DATA_SCALING = float(1.0 / DATA_STD.min())


def setup_inputs(seed: int = 0) -> dict:
    key = jax.random.key(seed)
    k1, k2, k3, k4 = jax.random.split(key, 4)
    B, C, D = 256, 1000, 512
    prediction = jax.random.normal(k1, (B, C), dtype=jnp.float32)
    target = jax.random.randint(k2, (B,), 0, C, dtype=jnp.int64) if jax.config.jax_enable_x64 else jax.random.randint(k2, (B,), 0, C, dtype=jnp.int32)
    W = jax.random.normal(k3, (C, D), dtype=jnp.float32) * 0.02
    K_model = jnp.abs(jax.random.normal(k4, (), dtype=jnp.float32)) + 1.0  # model.lipschitz_estimate()
    Kfc = jnp.asarray(1.5, dtype=jnp.float32)                              # fc.estimate() (classifier-layer Lipschitz)
    return {"prediction": prediction, "target": target, "W": W, "K_model": K_model, "Kfc": Kfc}


def reference(prediction, target, W, K_model, Kfc):
    # target is unused by the original forward (kept for signature fidelity).
    # calibrate_outputs=True branch: row-normalize classifier weight
    w_norm = jnp.linalg.norm(W.reshape(W.shape[0], -1), axis=1, keepdims=True)
    Wn = W / w_norm
    K = K_model / Kfc * DATA_SCALING
    y_j, j = jax.lax.top_k(prediction, 2)              # [B,2], [B,2]
    kW = K * Wn                                        # [C,D]
    kW_j = kW[j[:, 0]]                                 # [B,D] gather of top-1 class rows
    kW_ij = kW_j[:, :, None] - kW.T[None, :, :]        # [B,D,C] pairwise weight differences
    Kij = jnp.linalg.norm(kW_ij, axis=1)               # [B,C]
    margins = y_j[:, 0:1] - prediction                 # [B,C]
    B = prediction.shape[0]
    margins = margins.at[jnp.arange(B), j[:, 0]].set(jnp.inf)  # scatter_ overwrite with +inf
    ratios = margins / Kij
    ratio = jnp.min(ratios, axis=1)
    return jnp.mean(ratio)  # reduce == 'mean'

if __name__ == "__main__":
    import jax
    _d = setup_inputs()
    print(jax.jit(kernel)(*tuple(_d.values())))

</pallas_src>

<mosaic_0001>
#map = affine_map<(d0, d1) -> (0, 0)>
#map1 = affine_map<(d0, d1) -> (0)>
module attributes {stable_mosaic.version = 14 : i64} {
  func.func @_sc_body(%arg0: i32, %arg1: i32, %arg2: memref<256x1000xf32, #tpu.memory_space<hbm>>, %arg3: memref<256xi32, #tpu.memory_space<hbm>>, %arg4: memref<1000xf32, #tpu.memory_space<vmem>>, %arg5: memref<1000xf32, #tpu.memory_space<vmem>>, %arg6: memref<1000xf32, #tpu.memory_space<vmem>>, %arg7: memref<1000xf32, #tpu.memory_space<vmem>>, %arg8: memref<1000xf32, #tpu.memory_space<vmem>>, %arg9: memref<1000xf32, #tpu.memory_space<vmem>>, %arg10: memref<1000xf32, #tpu.memory_space<vmem>>, %arg11: memref<1000xf32, #tpu.memory_space<vmem>>, %arg12: memref<16xi32, #tpu.memory_space<vmem>>, %arg13: memref<!tpu.dma_semaphore, #tpu.memory_space<semaphore_mem>>) attributes {dimension_semantics = [#tpu.dimension_semantics<core_parallel>, #tpu.dimension_semantics<subcore_parallel>], iteration_bounds = array<i64: 2, 16>, scalar_prefetch = 0 : i64, scratch_operands = 10 : i64, tpu.core_type = #tpu.core_type<sc_vector_subcore>, window_params = [{transform_indices = #map}, {transform_indices = #map1}]} {
    %mul3A = arith.constant 2 : i32
    %mul3A_0 = arith.muli %arg1, %mul3A : i32
    %add3A = arith.addi %mul3A_0, %arg0 : i32
    %mul3A_1 = arith.constant 8 : i32
    %mul3A_2 = arith.muli %add3A, %mul3A_1 : i32
    %add3A_3 = arith.constant 0 : i32
    %add3A_4 = arith.addi %mul3A_2, %add3A_3 : i32
    %dma_start3A = arith.constant 0 : i32
    %dma_start3A_5 = tpu.memref_slice %arg2[%add3A_4, %dma_start3A] : memref<256x1000xf32, #tpu.memory_space<hbm>> -> memref<1x1000xf32, #tpu.memory_space<hbm>>
    %dma_start3A_6 = tpu.memref_squeeze %dma_start3A_5 : memref<1x1000xf32, #tpu.memory_space<hbm>> -> memref<1000xf32, #tpu.memory_space<hbm>>
    %dma_start3A_7 = arith.constant 0 : i32
    %dma_start3A_8 = tpu.memref_slice %arg2[%add3A_4, %dma_start3A_7] : memref<256x1000xf32, #tpu.memory_space<hbm>> -> memref<1x1000xf32, #tpu.memory_space<hbm>>
    %dma_start3A_9 = tpu.memref_squeeze %dma_start3A_8 : memref<1x1000xf32, #tpu.memory_space<hbm>> -> memref<1000xf32, #tpu.memory_space<hbm>>
    tpu.enqueue_dma source(%dma_start3A_9 : memref<1000xf32, #tpu.memory_space<hbm>>) target(%arg4 : memref<1000xf32, #tpu.memory_space<vmem>>) target_semaphore(%arg13 : memref<!tpu.dma_semaphore, #tpu.memory_space<semaphore_mem>>)
    %add3A_10 = arith.constant 1 : i32
    %add3A_11 = arith.addi %mul3A_2, %add3A_10 : i32
    %dma_start3A_12 = arith.constant 0 : i32
    %dma_start3A_13 = tpu.memref_slice %arg2[%add3A_11, %dma_start3A_12] : memref<256x1000xf32, #tpu.memory_space<hbm>> -> memref<1x1000xf32, #tpu.memory_space<hbm>>
    %dma_start3A_14 = tpu.memref_squeeze %dma_start3A_13 : memref<1x1000xf32, #tpu.memory_space<hbm>> -> memref<1000xf32, #tpu.memory_space<hbm>>
    %dma_start3A_15 = arith.constant 0 : i32
    %dma_start3A_16 = tpu.memref_slice %arg2[%add3A_11, %dma_start3A_15] : memref<256x1000xf32, #tpu.memory_space<hbm>> -> memref<1x1000xf32, #tpu.memory_space<hbm>>
    %dma_start3A_17 = tpu.memref_squeeze %dma_start3A_16 : memref<1x1000xf32, #tpu.memory_space<hbm>> -> memref<1000xf32, #tpu.memory_space<hbm>>
    tpu.enqueue_dma source(%dma_start3A_17 : memref<1000xf32, #tpu.memory_space<hbm>>) target(%arg5 : memref<1000xf32, #tpu.memory_space<vmem>>) target_semaphore(%arg13 : memref<!tpu.dma_semaphore, #tpu.memory_space<semaphore_mem>>)
    %add3A_18 = arith.constant 2 : i32
    %add3A_19 = arith.addi %mul3A_2, %add3A_18 : i32
    %dma_start3A_20 = arith.constant 0 : i32
    %dma_start3A_21 = tpu.memref_slice %arg2[%add3A_19, %dma_start3A_20] : memref<256x1000xf32, #tpu.memory_space<hbm>> -> memref<1x1000xf32, #tpu.memory_space<hbm>>
    %dma_start3A_22 = tpu.memref_squeeze %dma_start3A_21 : memref<1x1000xf32, #tpu.memory_space<hbm>> -> memref<1000xf32, #tpu.memory_space<hbm>>
    %dma_start3A_23 = arith.constant 0 : i32
    %dma_start3A_24 = tpu.memref_slice %arg2[%add3A_19, %dma_start3A_23] : memref<256x1000xf32, #tpu.memory_space<hbm>> -> memref<1x1000xf32, #tpu.memory_space<hbm>>
    %dma_start3A_25 = tpu.memref_squeeze %dma_start3A_24 : memref<1x1000xf32, #tpu.memory_space<hbm>> -> memref<1000xf32, #tpu.memory_space<hbm>>
    tpu.enqueue_dma source(%dma_start3A_25 : memref<1000xf32, #tpu.memory_space<hbm>>) target(%arg6 : memref<1000xf32, #tpu.memory_space<vmem>>) target_semaphore(%arg13 : memref<!tpu.dma_semaphore, #tpu.memory_space<semaphore_mem>>)
    %add3A_26 = arith.constant 3 : i32
    %add3A_27 = arith.addi %mul3A_2, %add3A_26 : i32
    %dma_start3A_28 = arith.constant 0 : i32
    %dma_start3A_29 = tpu.memref_slice %arg2[%add3A_27, %dma_start3A_28] : memref<256x1000xf32, #tpu.memory_space<hbm>> -> memref<1x1000xf32, #tpu.memory_space<hbm>>
    %dma_start3A_30 = tpu.memref_squeeze %dma_start3A_29 : memref<1x1000xf32, #tpu.memory_space<hbm>> -> memref<1000xf32, #tpu.memory_space<hbm>>
    %dma_start3A_31 = arith.constant 0 : i32
    %dma_start3A_32 = tpu.memref_slice %arg2[%add3A_27, %dma_start3A_31] : memref<256x1000xf32, #tpu.memory_space<hbm>> -> memref<1x1000xf32, #tpu.memory_space<hbm>>
    %dma_start3A_33 = tpu.memref_squeeze %dma_start3A_32 : memref<1x1000xf32, #tpu.memory_space<hbm>> -> memref<1000xf32, #tpu.memory_space<hbm>>
    tpu.enqueue_dma source(%dma_start3A_33 : memref<1000xf32, #tpu.memory_space<hbm>>) target(%arg7 : memref<1000xf32, #tpu.memory_space<vmem>>) target_semaphore(%arg13 : memref<!tpu.dma_semaphore, #tpu.memory_space<semaphore_mem>>)
    %add3A_34 = arith.constant 4 : i32
    %add3A_35 = arith.addi %mul3A_2, %add3A_34 : i32
    %dma_start3A_36 = arith.constant 0 : i32
    %dma_start3A_37 = tpu.memref_slice %arg2[%add3A_35, %dma_start3A_36] : memref<256x1000xf32, #tpu.memory_space<hbm>> -> memref<1x1000xf32, #tpu.memory_space<hbm>>
    %dma_start3A_38 = tpu.memref_squeeze %dma_start3A_37 : memref<1x1000xf32, #tpu.memory_space<hbm>> -> memref<1000xf32, #tpu.memory_space<hbm>>
    %dma_start3A_39 = arith.constant 0 : i32
    %dma_start3A_40 = tpu.memref_slice %arg2[%add3A_35, %dma_start3A_39] : memref<256x1000xf32, #tpu.memory_space<hbm>> -> memref<1x1000xf32, #tpu.memory_space<hbm>>
    %dma_start3A_41 = tpu.memref_squeeze %dma_start3A_40 : memref<1x1000xf32, #tpu.memory_space<hbm>> -> memref<1000xf32, #tpu.memory_space<hbm>>
    tpu.enqueue_dma source(%dma_start3A_41 : memref<1000xf32, #tpu.memory_space<hbm>>) target(%arg8 : memref<1000xf32, #tpu.memory_space<vmem>>) target_semaphore(%arg13 : memref<!tpu.dma_semaphore, #tpu.memory_space<semaphore_mem>>)
    %add3A_42 = arith.constant 5 : i32
    %add3A_43 = arith.addi %mul3A_2, %add3A_42 : i32
    %dma_start3A_44 = arith.constant 0 : i32
    %dma_start3A_45 = tpu.memref_slice %arg2[%add3A_43, %dma_start3A_44] : memref<256x1000xf32, #tpu.memory_space<hbm>> -> memref<1x1000xf32, #tpu.memory_space<hbm>>
    %dma_start3A_46 = tpu.memref_squeeze %dma_start3A_45 : memref<1x1000xf32, #tpu.memory_space<hbm>> -> memref<1000xf32, #tpu.memory_space<hbm>>
    %dma_start3A_47 = arith.constant 0 : i32
    %dma_start3A_48 = tpu.memref_slice %arg2[%add3A_43, %dma_start3A_47] : memref<256x1000xf32, #tpu.memory_space<hbm>> -> memref<1x1000xf32, #tpu.memory_space<hbm>>
    %dma_start3A_49 = tpu.memref_squeeze %dma_start3A_48 : memref<1x1000xf32, #tpu.memory_space<hbm>> -> memref<1000xf32, #tpu.memory_space<hbm>>
    tpu.enqueue_dma source(%dma_start3A_49 : memref<1000xf32, #tpu.memory_space<hbm>>) target(%arg9 : memref<1000xf32, #tpu.memory_space<vmem>>) target_semaphore(%arg13 : memref<!tpu.dma_semaphore, #tpu.memory_space<semaphore_mem>>)
    %add3A_50 = arith.constant 6 : i32
    %add3A_51 = arith.addi %mul3A_2, %add3A_50 : i32
    %dma_start3A_52 = arith.constant 0 : i32
    %dma_start3A_53 = tpu.memref_slice %arg2[%add3A_51, %dma_start3A_52] : memref<256x1000xf32, #tpu.memory_space<hbm>> -> memref<1x1000xf32, #tpu.memory_space<hbm>>
    %dma_start3A_54 = tpu.memref_squeeze %dma_start3A_53 : memref<1x1000xf32, #tpu.memory_space<hbm>> -> memref<1000xf32, #tpu.memory_space<hbm>>
    %dma_start3A_55 = arith.constant 0 : i32
    %dma_start3A_56 = tpu.memref_slice %arg2[%add3A_51, %dma_start3A_55] : memref<256x1000xf32, #tpu.memory_space<hbm>> -> memref<1x1000xf32, #tpu.memory_space<hbm>>
    %dma_start3A_57 = tpu.memref_squeeze %dma_start3A_56 : memref<1x1000xf32, #tpu.memory_space<hbm>> -> memref<1000xf32, #tpu.memory_space<hbm>>
    tpu.enqueue_dma source(%dma_start3A_57 : memref<1000xf32, #tpu.memory_space<hbm>>) target(%arg10 : memref<1000xf32, #tpu.memory_space<vmem>>) target_semaphore(%arg13 : memref<!tpu.dma_semaphore, #tpu.memory_space<semaphore_mem>>)
    %add3A_58 = arith.constant 7 : i32
    %add3A_59 = arith.addi %mul3A_2, %add3A_58 : i32
    %dma_start3A_60 = arith.constant 0 : i32
    %dma_start3A_61 = tpu.memref_slice %arg2[%add3A_59, %dma_start3A_60] : memref<256x1000xf32, #tpu.memory_space<hbm>> -> memref<1x1000xf32, #tpu.memory_space<hbm>>
    %dma_start3A_62 = tpu.memref_squeeze %dma_start3A_61 : memref<1x1000xf32, #tpu.memory_space<hbm>> -> memref<1000xf32, #tpu.memory_space<hbm>>
    %dma_start3A_63 = arith.constant 0 : i32
    %dma_start3A_64 = tpu.memref_slice %arg2[%add3A_59, %dma_start3A_63] : memref<256x1000xf32, #tpu.memory_space<hbm>> -> memref<1x1000xf32, #tpu.memory_space<hbm>>
    %dma_start3A_65 = tpu.memref_squeeze %dma_start3A_64 : memref<1x1000xf32, #tpu.memory_space<hbm>> -> memref<1000xf32, #tpu.memory_space<hbm>>
    tpu.enqueue_dma source(%dma_start3A_65 : memref<1000xf32, #tpu.memory_space<hbm>>) target(%arg11 : memref<1000xf32, #tpu.memory_space<vmem>>) target_semaphore(%arg13 : memref<!tpu.dma_semaphore, #tpu.memory_space<semaphore_mem>>)
    %dma_wait3A = arith.constant 0 : i32
    %dma_wait3A_66 = tpu.memref_slice %arg2[%add3A_4, %dma_wait3A] : memref<256x1000xf32, #tpu.memory_space<hbm>> -> memref<1x1000xf32, #tpu.memory_space<hbm>>
    %dma_wait3A_67 = tpu.memref_squeeze %dma_wait3A_66 : memref<1x1000xf32, #tpu.memory_space<hbm>> -> memref<1000xf32, #tpu.memory_space<hbm>>
    %dma_wait3A_68 = arith.constant 0 : i32
    %dma_wait3A_69 = tpu.memref_slice %arg2[%add3A_4, %dma_wait3A_68] : memref<256x1000xf32, #tpu.memory_space<hbm>> -> memref<1x1000xf32, #tpu.memory_space<hbm>>
    %dma_wait3A_70 = tpu.memref_squeeze %dma_wait3A_69 : memref<1x1000xf32, #tpu.memory_space<hbm>> -> memref<1000xf32, #tpu.memory_space<hbm>>
    tpu.wait_dma2 semaphore(%arg13 : memref<!tpu.dma_semaphore, #tpu.memory_space<semaphore_mem>>) src(%dma_wait3A_70 : memref<1000xf32, #tpu.memory_space<hbm>>) dst(%arg4 : memref<1000xf32, #tpu.memory_space<vmem>>)
    %dma_wait3A_71 = arith.constant 0 : i32
    %dma_wait3A_72 = tpu.memref_slice %arg2[%add3A_11, %dma_wait3A_71] : memref<256x1000xf32, #tpu.memory_space<hbm>> -> memref<1x1000xf32, #tpu.memory_space<hbm>>
    %dma_wait3A_73 = tpu.memref_squeeze %dma_wait3A_72 : memref<1x1000xf32, #tpu.memory_space<hbm>> -> memref<1000xf32, #tpu.memory_space<hbm>>
    %dma_wait3A_74 = arith.constant 0 : i32
    %dma_wait3A_75 = tpu.memref_slice %arg2[%add3A_11, %dma_wait3A_74] : memref<256x1000xf32, #tpu.memory_space<hbm>> -> memref<1x1000xf32, #tpu.memory_space<hbm>>
    %dma_wait3A_76 = tpu.memref_squeeze %dma_wait3A_75 : memref<1x1000xf32, #tpu.memory_space<hbm>> -> memref<1000xf32, #tpu.memory_space<hbm>>
    tpu.wait_dma2 semaphore(%arg13 : memref<!tpu.dma_semaphore, #tpu.memory_space<semaphore_mem>>) src(%dma_wait3A_76 : memref<1000xf32, #tpu.memory_space<hbm>>) dst(%arg5 : memref<1000xf32, #tpu.memory_space<vmem>>)
    %dma_wait3A_77 = arith.constant 0 : i32
    %dma_wait3A_78 = tpu.memref_slice %arg2[%add3A_19, %dma_wait3A_77] : memref<256x1000xf32, #tpu.memory_space<hbm>> -> memref<1x1000xf32, #tpu.memory_space<hbm>>
    %dma_wait3A_79 = tpu.memref_squeeze %dma_wait3A_78 : memref<1x1000xf32, #tpu.memory_space<hbm>> -> memref<1000xf32, #tpu.memory_space<hbm>>
    %dma_wait3A_80 = arith.constant 0 : i32
    %dma_wait3A_81 = tpu.memref_slice %arg2[%add3A_19, %dma_wait3A_80] : memref<256x1000xf32, #tpu.memory_space<hbm>> -> memref<1x1000xf32, #tpu.memory_space<hbm>>
    %dma_wait3A_82 = tpu.memref_squeeze %dma_wait3A_81 : memref<1x1000xf32, #tpu.memory_space<hbm>> -> memref<1000xf32, #tpu.memory_space<hbm>>
    tpu.wait_dma2 semaphore(%arg13 : memref<!tpu.dma_semaphore, #tpu.memory_space<semaphore_mem>>) src(%dma_wait3A_82 : memref<1000xf32, #tpu.memory_space<hbm>>) dst(%arg6 : memref<1000xf32, #tpu.memory_space<vmem>>)
    %dma_wait3A_83 = arith.constant 0 : i32
    %dma_wait3A_84 = tpu.memref_slice %arg2[%add3A_27, %dma_wait3A_83] : memref<256x1000xf32, #tpu.memory_space<hbm>> -> memref<1x1000xf32, #tpu.memory_space<hbm>>
    %dma_wait3A_85 = tpu.memref_squeeze %dma_wait3A_84 : memref<1x1000xf32, #tpu.memory_space<hbm>> -> memref<1000xf32, #tpu.memory_space<hbm>>
    %dma_wait3A_86 = arith.constant 0 : i32
    %dma_wait3A_87 = tpu.memref_slice %arg2[%add3A_27, %dma_wait3A_86] : memref<256x1000xf32, #tpu.memory_space<hbm>> -> memref<1x1000xf32, #tpu.memory_space<hbm>>
    %dma_wait3A_88 = tpu.memref_squeeze %dma_wait3A_87 : memref<1x1000xf32, #tpu.memory_space<hbm>> -> memref<1000xf32, #tpu.memory_space<hbm>>
    tpu.wait_dma2 semaphore(%arg13 : memref<!tpu.dma_semaphore, #tpu.memory_space<semaphore_mem>>) src(%dma_wait3A_88 : memref<1000xf32, #tpu.memory_space<hbm>>) dst(%arg7 : memref<1000xf32, #tpu.memory_space<vmem>>)
    %dma_wait3A_89 = arith.constant 0 : i32
    %dma_wait3A_90 = tpu.memref_slice %arg2[%add3A_35, %dma_wait3A_89] : memref<256x1000xf32, #tpu.memory_space<hbm>> -> memref<1x1000xf32, #tpu.memory_space<hbm>>
    %dma_wait3A_91 = tpu.memref_squeeze %dma_wait3A_90 : memref<1x1000xf32, #tpu.memory_space<hbm>> -> memref<1000xf32, #tpu.memory_space<hbm>>
    %dma_wait3A_92 = arith.constant 0 : i32
    %dma_wait3A_93 = tpu.memref_slice %arg2[%add3A_35, %dma_wait3A_92] : memref<256x1000xf32, #tpu.memory_space<hbm>> -> memref<1x1000xf32, #tpu.memory_space<hbm>>
    %dma_wait3A_94 = tpu.memref_squeeze %dma_wait3A_93 : memref<1x1000xf32, #tpu.memory_space<hbm>> -> memref<1000xf32, #tpu.memory_space<hbm>>
    tpu.wait_dma2 semaphore(%arg13 : memref<!tpu.dma_semaphore, #tpu.memory_space<semaphore_mem>>) src(%dma_wait3A_94 : memref<1000xf32, #tpu.memory_space<hbm>>) dst(%arg8 : memref<1000xf32, #tpu.memory_space<vmem>>)
    %dma_wait3A_95 = arith.constant 0 : i32
    %dma_wait3A_96 = tpu.memref_slice %arg2[%add3A_43, %dma_wait3A_95] : memref<256x1000xf32, #tpu.memory_space<hbm>> -> memref<1x1000xf32, #tpu.memory_space<hbm>>
    %dma_wait3A_97 = tpu.memref_squeeze %dma_wait3A_96 : memref<1x1000xf32, #tpu.memory_space<hbm>> -> memref<1000xf32, #tpu.memory_space<hbm>>
    %dma_wait3A_98 = arith.constant 0 : i32
    %dma_wait3A_99 = tpu.memref_slice %arg2[%add3A_43, %dma_wait3A_98] : memref<256x1000xf32, #tpu.memory_space<hbm>> -> memref<1x1000xf32, #tpu.memory_space<hbm>>
    %dma_wait3A_100 = tpu.memref_squeeze %dma_wait3A_99 : memref<1x1000xf32, #tpu.memory_space<hbm>> -> memref<1000xf32, #tpu.memory_space<hbm>>
    tpu.wait_dma2 semaphore(%arg13 : memref<!tpu.dma_semaphore, #tpu.memory_space<semaphore_mem>>) src(%dma_wait3A_100 : memref<1000xf32, #tpu.memory_space<hbm>>) dst(%arg9 : memref<1000xf32, #tpu.memory_space<vmem>>)
    %dma_wait3A_101 = arith.constant 0 : i32
    %dma_wait3A_102 = tpu.memref_slice %arg2[%add3A_51, %dma_wait3A_101] : memref<256x1000xf32, #tpu.memory_space<hbm>> -> memref<1x1000xf32, #tpu.memory_space<hbm>>
    %dma_wait3A_103 = tpu.memref_squeeze %dma_wait3A_102 : memref<1x1000xf32, #tpu.memory_space<hbm>> -> memref<1000xf32, #tpu.memory_space<hbm>>
    %dma_wait3A_104 = arith.constant 0 : i32
    %dma_wait3A_105 = tpu.memref_slice %arg2[%add3A_51, %dma_wait3A_104] : memref<256x1000xf32, #tpu.memory_space<hbm>> -> memref<1x1000xf32, #tpu.memory_space<hbm>>
    %dma_wait3A_106 = tpu.memref_squeeze %dma_wait3A_105 : memref<1x1000xf32, #tpu.memory_space<hbm>> -> memref<1000xf32, #tpu.memory_space<hbm>>
    tpu.wait_dma2 semaphore(%arg13 : memref<!tpu.dma_semaphore, #tpu.memory_space<semaphore_mem>>) src(%dma_wait3A_106 : memref<1000xf32, #tpu.memory_space<hbm>>) dst(%arg10 : memref<1000xf32, #tpu.memory_space<vmem>>)
    %dma_wait3A_107 = arith.constant 0 : i32
    %dma_wait3A_108 = tpu.memref_slice %arg2[%add3A_59, %dma_wait3A_107] : memref<256x1000xf32, #tpu.memory_space<hbm>> -> memref<1x1000xf32, #tpu.memory_space<hbm>>
    %dma_wait3A_109 = tpu.memref_squeeze %dma_wait3A_108 : memref<1x1000xf32, #tpu.memory_space<hbm>> -> memref<1000xf32, #tpu.memory_space<hbm>>
    %dma_wait3A_110 = arith.constant 0 : i32
    %dma_wait3A_111 = tpu.memref_slice %arg2[%add3A_59, %dma_wait3A_110] : memref<256x1000xf32, #tpu.memory_space<hbm>> -> memref<1x1000xf32, #tpu.memory_space<hbm>>
    %dma_wait3A_112 = tpu.memref_squeeze %dma_wait3A_111 : memref<1x1000xf32, #tpu.memory_space<hbm>> -> memref<1000xf32, #tpu.memory_space<hbm>>
    tpu.wait_dma2 semaphore(%arg13 : memref<!tpu.dma_semaphore, #tpu.memory_space<semaphore_mem>>) src(%dma_wait3A_112 : memref<1000xf32, #tpu.memory_space<hbm>>) dst(%arg11 : memref<1000xf32, #tpu.memory_space<vmem>>)
    %iota3A = tpu.iota {dimensions = array<i32: 0>} : vector<16xi32>
    %broadcast_in_dim3A = arith.constant 0xFF800000 : f32
    %broadcast_in_dim3A_113 = vector.broadcast %broadcast_in_dim3A : f32 to vector<16xf32>
    %broadcast_in_dim3A_114 = arith.constant 0 : i32
    %broadcast_in_dim3A_115 = vector.broadcast %broadcast_in_dim3A_114 : i32 to vector<16xi32>
    %scan3A = arith.constant 0 : i32
    %scan3A_116 = arith.constant 62 : i32
    %scan3A_117 = arith.addi %scan3A, %scan3A_116 : i32
    %scan3A_118 = arith.constant 2 : i32
    %scan3A_119:16 = scf.for %scan3A_712 = %scan3A to %scan3A_117 step %scan3A_118 iter_args(%scan3A_713 = %broadcast_in_dim3A_113, %scan3A_714 = %broadcast_in_dim3A_115, %scan3A_715 = %broadcast_in_dim3A_113, %scan3A_716 = %broadcast_in_dim3A_115, %scan3A_717 = %broadcast_in_dim3A_113, %scan3A_718 = %broadcast_in_dim3A_115, %scan3A_719 = %broadcast_in_dim3A_113, %scan3A_720 = %broadcast_in_dim3A_115, %scan3A_721 = %broadcast_in_dim3A_113, %scan3A_722 = %broadcast_in_dim3A_115, %scan3A_723 = %broadcast_in_dim3A_113, %scan3A_724 = %broadcast_in_dim3A_115, %scan3A_725 = %broadcast_in_dim3A_113, %scan3A_726 = %broadcast_in_dim3A_115, %scan3A_727 = %broadcast_in_dim3A_113, %scan3A_728 = %broadcast_in_dim3A_115) -> (vector<16xf32>, vector<16xi32>, vector<16xf32>, vector<16xi32>, vector<16xf32>, vector<16xi32>, vector<16xf32>, vector<16xi32>, vector<16xf32>, vector<16xi32>, vector<16xf32>, vector<16xi32>, vector<16xf32>, vector<16xi32>, vector<16xf32>, vector<16xi32>)  : i32 {
      %mul3A_729 = arith.constant 16 : i32
      %mul3A_730 = arith.muli %scan3A_712, %mul3A_729 : i32
      %add3A_731 = vector.broadcast %mul3A_730 : i32 to vector<16xi32>
      %add3A_732 = arith.addi %add3A_731, %iota3A : vector<16xi32>
      %mul3A_733 = arith.constant 16 : i32
      %mul3A_734 = arith.muli %scan3A_712, %mul3A_733 : i32
      %get3A_735 = arith.index_cast %mul3A_734 : i32 to index
      %get3A_736 = tpu.vector_load %arg4[%get3A_735] {strides = array<i32>} : memref<1000xf32, #tpu.memory_space<vmem>>, vector<16xf32>,
      %get3A_737 = vector.shape_cast %get3A_736 : vector<16xf32> to vector<16xf32>
      %gt3A_738 = arith.cmpf ogt, %get3A_737, %scan3A_713 : vector<16xf32>
      %select_n3A_739 = arith.select %gt3A_738, %get3A_737, %scan3A_713 : vector<16xi1>, vector<16xf32>
      %select_n3A_740 = arith.select %gt3A_738, %add3A_732, %scan3A_714 : vector<16xi1>, vector<16xi32>
      %mul3A_741 = arith.constant 16 : i32
      %mul3A_742 = arith.muli %scan3A_712, %mul3A_741 : i32
      %get3A_743 = arith.index_cast %mul3A_742 : i32 to index
      %get3A_744 = tpu.vector_load %arg5[%get3A_743] {strides = array<i32>} : memref<1000xf32, #tpu.memory_space<vmem>>, vector<16xf32>,
      %get3A_745 = vector.shape_cast %get3A_744 : vector<16xf32> to vector<16xf32>
      %gt3A_746 = arith.cmpf ogt, %get3A_745, %scan3A_715 : vector<16xf32>
      %select_n3A_747 = arith.select %gt3A_746, %get3A_745, %scan3A_715 : vector<16xi1>, vector<16xf32>
      %select_n3A_748 = arith.select %gt3A_746, %add3A_732, %scan3A_716 : vector<16xi1>, vector<16xi32>
      %mul3A_749 = arith.constant 16 : i32
      %mul3A_750 = arith.muli %scan3A_712, %mul3A_749 : i32
      %get3A_751 = arith.index_cast %mul3A_750 : i32 to index
      %get3A_752 = tpu.vector_load %arg6[%get3A_751] {strides = array<i32>} : memref<1000xf32, #tpu.memory_space<vmem>>, vector<16xf32>,
      %get3A_753 = vector.shape_cast %get3A_752 : vector<16xf32> to vector<16xf32>
      %gt3A_754 = arith.cmpf ogt, %get3A_753, %scan3A_717 : vector<16xf32>
      %select_n3A_755 = arith.select %gt3A_754, %get3A_753, %scan3A_717 : vector<16xi1>, vector<16xf32>
      %select_n3A_756 = arith.select %gt3A_754, %add3A_732, %scan3A_718 : vector<16xi1>, vector<16xi32>
      %mul3A_757 = arith.constant 16 : i32
      %mul3A_758 = arith.muli %scan3A_712, %mul3A_757 : i32
      %get3A_759 = arith.index_cast %mul3A_758 : i32 to index
      %get3A_760 = tpu.vector_load %arg7[%get3A_759] {strides = array<i32>} : memref<1000xf32, #tpu.memory_space<vmem>>, vector<16xf32>,
      %get3A_761 = vector.shape_cast %get3A_760 : vector<16xf32> to vector<16xf32>
      %gt3A_762 = arith.cmpf ogt, %get3A_761, %scan3A_719 : vector<16xf32>
      %select_n3A_763 = arith.select %gt3A_762, %get3A_761, %scan3A_719 : vector<16xi1>, vector<16xf32>
      %select_n3A_764 = arith.select %gt3A_762, %add3A_732, %scan3A_720 : vector<16xi1>, vector<16xi32>
      %mul3A_765 = arith.constant 16 : i32
      %mul3A_766 = arith.muli %scan3A_712, %mul3A_765 : i32
      %get3A_767 = arith.index_cast %mul3A_766 : i32 to index
      %get3A_768 = tpu.vector_load %arg8[%get3A_767] {strides = array<i32>} : memref<1000xf32, #tpu.memory_space<vmem>>, vector<16xf32>,
      %get3A_769 = vector.shape_cast %get3A_768 : vector<16xf32> to vector<16xf32>
      %gt3A_770 = arith.cmpf ogt, %get3A_769, %scan3A_721 : vector<16xf32>
      %select_n3A_771 = arith.select %gt3A_770, %get3A_769, %scan3A_721 : vector<16xi1>, vector<16xf32>
      %select_n3A_772 = arith.select %gt3A_770, %add3A_732, %scan3A_722 : vector<16xi1>, vector<16xi32>
      %mul3A_773 = arith.constant 16 : i32
      %mul3A_774 = arith.muli %scan3A_712, %mul3A_773 : i32
      %get3A_775 = arith.index_cast %mul3A_774 : i32 to index
      %get3A_776 = tpu.vector_load %arg9[%get3A_775] {strides = array<i32>} : memref<1000xf32, #tpu.memory_space<vmem>>, vector<16xf32>,
      %get3A_777 = vector.shape_cast %get3A_776 : vector<16xf32> to vector<16xf32>
      %gt3A_778 = arith.cmpf ogt, %get3A_777, %scan3A_723 : vector<16xf32>
      %select_n3A_779 = arith.select %gt3A_778, %get3A_777, %scan3A_723 : vector<16xi1>, vector<16xf32>
      %select_n3A_780 = arith.select %gt3A_778, %add3A_732, %scan3A_724 : vector<16xi1>, vector<16xi32>
      %mul3A_781 = arith.constant 16 : i32
      %mul3A_782 = arith.muli %scan3A_712, %mul3A_781 : i32
      %get3A_783 = arith.index_cast %mul3A_782 : i32 to index
      %get3A_784 = tpu.vector_load %arg10[%get3A_783] {strides = array<i32>} : memref<1000xf32, #tpu.memory_space<vmem>>, vector<16xf32>,
      %get3A_785 = vector.shape_cast %get3A_784 : vector<16xf32> to vector<16xf32>
      %gt3A_786 = arith.cmpf ogt, %get3A_785, %scan3A_725 : vector<16xf32>
      %select_n3A_787 = arith.select %gt3A_786, %get3A_785, %scan3A_725 : vector<16xi1>, vector<16xf32>
      %select_n3A_788 = arith.select %gt3A_786, %add3A_732, %scan3A_726 : vector<16xi1>, vector<16xi32>
      %mul3A_789 = arith.constant 16 : i32
      %mul3A_790 = arith.muli %scan3A_712, %mul3A_789 : i32
      %get3A_791 = arith.index_cast %mul3A_790 : i32 to index
      %get3A_792 = tpu.vector_load %arg11[%get3A_791] {strides = array<i32>} : memref<1000xf32, #tpu.memory_space<vmem>>, vector<16xf32>,
      %get3A_793 = vector.shape_cast %get3A_792 : vector<16xf32> to vector<16xf32>
      %gt3A_794 = arith.cmpf ogt, %get3A_793, %scan3A_727 : vector<16xf32>
      %select_n3A_795 = arith.select %gt3A_794, %get3A_793, %scan3A_727 : vector<16xi1>, vector<16xf32>
      %select_n3A_796 = arith.select %gt3A_794, %add3A_732, %scan3A_728 : vector<16xi1>, vector<16xi32>
      %scan3A_797 = arith.constant 1 : i32
      %scan3A_798 = arith.addi %scan3A_712, %scan3A_797 : i32
      %mul3A_799 = arith.constant 16 : i32
      %mul3A_800 = arith.muli %scan3A_798, %mul3A_799 : i32
      %add3A_801 = vector.broadcast %mul3A_800 : i32 to vector<16xi32>
      %add3A_802 = arith.addi %add3A_801, %iota3A : vector<16xi32>
      %mul3A_803 = arith.constant 16 : i32
      %mul3A_804 = arith.muli %scan3A_798, %mul3A_803 : i32
      %get3A_805 = arith.index_cast %mul3A_804 : i32 to index
      %get3A_806 = tpu.vector_load %arg4[%get3A_805] {strides = array<i32>} : memref<1000xf32, #tpu.memory_space<vmem>>, vector<16xf32>,
      %get3A_807 = vector.shape_cast %get3A_806 : vector<16xf32> to vector<16xf32>
      %gt3A_808 = arith.cmpf ogt, %get3A_807, %select_n3A_739 : vector<16xf32>
      %select_n3A_809 = arith.select %gt3A_808, %get3A_807, %select_n3A_739 : vector<16xi1>, vector<16xf32>
      %select_n3A_810 = arith.select %gt3A_808, %add3A_802, %select_n3A_740 : vector<16xi1>, vector<16xi32>
      %mul3A_811 = arith.constant 16 : i32
      %mul3A_812 = arith.muli %scan3A_798, %mul3A_811 : i32
      %get3A_813 = arith.index_cast %mul3A_812 : i32 to index
      %get3A_814 = tpu.vector_load %arg5[%get3A_813] {strides = array<i32>} : memref<1000xf32, #tpu.memory_space<vmem>>, vector<16xf32>,
      %get3A_815 = vector.shape_cast %get3A_814 : vector<16xf32> to vector<16xf32>
      %gt3A_816 = arith.cmpf ogt, %get3A_815, %select_n3A_747 : vector<16xf32>
      %select_n3A_817 = arith.select %gt3A_816, %get3A_815, %select_n3A_747 : vector<16xi1>, vector<16xf32>
      %select_n3A_818 = arith.select %gt3A_816, %add3A_802, %select_n3A_748 : vector<16xi1>, vector<16xi32>
      %mul3A_819 = arith.constant 16 : i32
      %mul3A_820 = arith.muli %scan3A_798, %mul3A_819 : i32
      %get3A_821 = arith.index_cast %mul3A_820 : i32 to index
      %get3A_822 = tpu.vector_load %arg6[%get3A_821] {strides = array<i32>} : memref<1000xf32, #tpu.memory_space<vmem>>, vector<16xf32>,
      %get3A_823 = vector.shape_cast %get3A_822 : vector<16xf32> to vector<16xf32>
      %gt3A_824 = arith.cmpf ogt, %get3A_823, %select_n3A_755 : vector<16xf32>
      %select_n3A_825 = arith.select %gt3A_824, %get3A_823, %select_n3A_755 : vector<16xi1>, vector<16xf32>
      %select_n3A_826 = arith.select %gt3A_824, %add3A_802, %select_n3A_756 : vector<16xi1>, vector<16xi32>
      %mul3A_827 = arith.constant 16 : i32
      %mul3A_828 = arith.muli %scan3A_798, %mul3A_827 : i32
      %get3A_829 = arith.index_cast %mul3A_828 : i32 to index
      %get3A_830 = tpu.vector_load %arg7[%get3A_829] {strides = array<i32>} : memref<1000xf32, #tpu.memory_space<vmem>>, vector<16xf32>,
      %get3A_831 = vector.shape_cast %get3A_830 : vector<16xf32> to vector<16xf32>
      %gt3A_832 = arith.cmpf ogt, %get3A_831, %select_n3A_763 : vector<16xf32>
      %select_n3A_833 = arith.select %gt3A_832, %get3A_831, %select_n3A_763 : vector<16xi1>, vector<16xf32>
      %select_n3A_834 = arith.select %gt3A_832, %add3A_802, %select_n3A_764 : vector<16xi1>, vector<16xi32>
      %mul3A_835 = arith.constant 16 : i32
      %mul3A_836 = arith.muli %scan3A_798, %mul3A_835 : i32
      %get3A_837 = arith.index_cast %mul3A_836 : i32 to index
      %get3A_838 = tpu.vector_load %arg8[%get3A_837] {strides = array<i32>} : memref<1000xf32, #tpu.memory_space<vmem>>, vector<16xf32>,
      %get3A_839 = vector.shape_cast %get3A_838 : vector<16xf32> to vector<16xf32>
      %gt3A_840 = arith.cmpf ogt, %get3A_839, %select_n3A_771 : vector<16xf32>
      %select_n3A_841 = arith.select %gt3A_840, %get3A_839, %select_n3A_771 : vector<16xi1>, vector<16xf32>
      %select_n3A_842 = arith.select %gt3A_840, %add3A_802, %select_n3A_772 : vector<16xi1>, vector<16xi32>
      %mul3A_843 = arith.constant 16 : i32
      %mul3A_844 = arith.muli %scan3A_798, %mul3A_843 : i32
      %get3A_845 = arith.index_cast %mul3A_844 : i32 to index
      %get3A_846 = tpu.vector_load %arg9[%get3A_845] {strides = array<i32>} : memref<1000xf32, #tpu.memory_space<vmem>>, vector<16xf32>,
      %get3A_847 = vector.shape_cast %get3A_846 : vector<16xf32> to vector<16xf32>
      %gt3A_848 = arith.cmpf ogt, %get3A_847, %select_n3A_779 : vector<16xf32>
      %select_n3A_849 = arith.select %gt3A_848, %get3A_847, %select_n3A_779 : vector<16xi1>, vector<16xf32>
      %select_n3A_850 = arith.select %gt3A_848, %add3A_802, %select_n3A_780 : vector<16xi1>, vector<16xi32>
      %mul3A_851 = arith.constant 16 : i32
      %mul3A_852 = arith.muli %scan3A_798, %mul3A_851 : i32
      %get3A_853 = arith.index_cast %mul3A_852 : i32 to index
      %get3A_854 = tpu.vector_load %arg10[%get3A_853] {strides = array<i32>} : memref<1000xf32, #tpu.memory_space<vmem>>, vector<16xf32>,
      %get3A_855 = vector.shape_cast %get3A_854 : vector<16xf32> to vector<16xf32>
      %gt3A_856 = arith.cmpf ogt, %get3A_855, %select_n3A_787 : vector<16xf32>
      %select_n3A_857 = arith.select %gt3A_856, %get3A_855, %select_n3A_787 : vector<16xi1>, vector<16xf32>
      %select_n3A_858 = arith.select %gt3A_856, %add3A_802, %select_n3A_788 : vector<16xi1>, vector<16xi32>
      %mul3A_859 = arith.constant 16 : i32
      %mul3A_860 = arith.muli %scan3A_798, %mul3A_859 : i32
      %get3A_861 = arith.index_cast %mul3A_860 : i32 to index
      %get3A_862 = tpu.vector_load %arg11[%get3A_861] {strides = array<i32>} : memref<1000xf32, #tpu.memory_space<vmem>>, vector<16xf32>,
      %get3A_863 = vector.shape_cast %get3A_862 : vector<16xf32> to vector<16xf32>
      %gt3A_864 = arith.cmpf ogt, %get3A_863, %select_n3A_795 : vector<16xf32>
      %select_n3A_865 = arith.select %gt3A_864, %get3A_863, %select_n3A_795 : vector<16xi1>, vector<16xf32>
      %select_n3A_866 = arith.select %gt3A_864, %add3A_802, %select_n3A_796 : vector<16xi1>, vector<16xi32>
      scf.yield %select_n3A_809, %select_n3A_810, %select_n3A_817, %select_n3A_818, %select_n3A_825, %select_n3A_826, %select_n3A_833, %select_n3A_834, %select_n3A_841, %select_n3A_842, %select_n3A_849, %select_n3A_850, %select_n3A_857, %select_n3A_858, %select_n3A_865, %select_n3A_866 : vector<16xf32>, vector<16xi32>, vector<16xf32>, vector<16xi32>, vector<16xf32>, vector<16xi32>, vector<16xf32>, vector<16xi32>, vector<16xf32>, vector<16xi32>, vector<16xf32>, vector<16xi32>, vector<16xf32>, vector<16xi32>, vector<16xf32>, vector<16xi32>
    }
    %scan3A_120 = arith.constant 62 : i32
    %broadcast_in_dim3A_121 = arith.constant 0 : i32
    %broadcast_in_dim3A_122 = vector.broadcast %broadcast_in_dim3A_121 : i32 to vector<16xi32>
    %add3A_123 = arith.constant 984 : i32
    %add3A_124 = vector.broadcast %add3A_123 : i32 to vector<16xi32>
    %add3A_125 = arith.addi %add3A_124, %iota3A : vector<16xi32>
    %get3A = arith.constant 984 : index
    %get3A_126 = tpu.vector_load %arg4[%get3A] {strides = array<i32>} : memref<1000xf32, #tpu.memory_space<vmem>>, vector<16xf32>,
    %get3A_127 = vector.shape_cast %get3A_126 : vector<16xf32> to vector<16xf32>
    %gt3A = arith.cmpf ogt, %get3A_127, %scan3A_119#0 : vector<16xf32>
    %select_n3A = arith.select %gt3A, %get3A_127, %scan3A_119#0 : vector<16xi1>, vector<16xf32>
    %select_n3A_128 = arith.select %gt3A, %add3A_125, %scan3A_119#1 : vector<16xi1>, vector<16xi32>
    %xor3A = arith.constant 8 : i32
    %xor3A_129 = vector.broadcast %xor3A : i32 to vector<16xi32>
    %xor3A_130 = arith.xori %iota3A, %xor3A_129 : vector<16xi32>
    %broadcast_in_dim3A_131 = vector.shape_cast %xor3A_130 : vector<16xi32> to vector<16x1xi32>
    %gather3A = vector.shape_cast %broadcast_in_dim3A_131 : vector<16x1xi32> to vector<16xi32>
    %gather3A_132 = tpu.dynamic_gather %select_n3A[%gather3A] in [0] : vector<16xf32>, vector<16xi32> -> vector<16xf32>
    %broadcast_in_dim3A_133 = vector.shape_cast %xor3A_130 : vector<16xi32> to vector<16x1xi32>
    %gather3A_134 = vector.shape_cast %broadcast_in_dim3A_133 : vector<16x1xi32> to vector<16xi32>
    %gather3A_135 = tpu.dynamic_gather %select_n3A_128[%gather3A_134] in [0] : vector<16xi32>, vector<16xi32> -> vector<16xi32>
    %gt3A_136 = arith.cmpf ogt, %gather3A_132, %select_n3A : vector<16xf32>
    %eq3A = arith.cmpf oeq, %gather3A_132, %select_n3A : vector<16xf32>
    %lt3A = arith.cmpi slt, %gather3A_135, %select_n3A_128 : vector<16xi32>
    %and3A = arith.andi %eq3A, %lt3A : vector<16xi1>
    %or3A = arith.ori %gt3A_136, %and3A : vector<16xi1>
    %select_n3A_137 = arith.select %or3A, %gather3A_132, %select_n3A : vector<16xi1>, vector<16xf32>
    %select_n3A_138 = arith.select %or3A, %gather3A_135, %select_n3A_128 : vector<16xi1>, vector<16xi32>
    %xor3A_139 = arith.constant 4 : i32
    %xor3A_140 = vector.broadcast %xor3A_139 : i32 to vector<16xi32>
    %xor3A_141 = arith.xori %iota3A, %xor3A_140 : vector<16xi32>
    %broadcast_in_dim3A_142 = vector.shape_cast %xor3A_141 : vector<16xi32> to vector<16x1xi32>
    %gather3A_143 = vector.shape_cast %broadcast_in_dim3A_142 : vector<16x1xi32> to vector<16xi32>
    %gather3A_144 = tpu.dynamic_gather %select_n3A_137[%gather3A_143] in [0] : vector<16xf32>, vector<16xi32> -> vector<16xf32>
    %broadcast_in_dim3A_145 = vector.shape_cast %xor3A_141 : vector<16xi32> to vector<16x1xi32>
    %gather3A_146 = vector.shape_cast %broadcast_in_dim3A_145 : vector<16x1xi32> to vector<16xi32>
    %gather3A_147 = tpu.dynamic_gather %select_n3A_138[%gather3A_146] in [0] : vector<16xi32>, vector<16xi32> -> vector<16xi32>
    %gt3A_148 = arith.cmpf ogt, %gather3A_144, %select_n3A_137 : vector<16xf32>
    %eq3A_149 = arith.cmpf oeq, %gather3A_144, %select_n3A_137 : vector<16xf32>
    %lt3A_150 = arith.cmpi slt, %gather3A_147, %select_n3A_138 : vector<16xi32>
    %and3A_151 = arith.andi %eq3A_149, %lt3A_150 : vector<16xi1>
    %or3A_152 = arith.ori %gt3A_148, %and3A_151 : vector<16xi1>
    %select_n3A_153 = arith.select %or3A_152, %gather3A_144, %select_n3A_137 : vector<16xi1>, vector<16xf32>
    %select_n3A_154 = arith.select %or3A_152, %gather3A_147, %select_n3A_138 : vector<16xi1>, vector<16xi32>
    %xor3A_155 = arith.constant 2 : i32
    %xor3A_156 = vector.broadcast %xor3A_155 : i32 to vector<16xi32>
    %xor3A_157 = arith.xori %iota3A, %xor3A_156 : vector<16xi32>
    %broadcast_in_dim3A_158 = vector.shape_cast %xor3A_157 : vector<16xi32> to vector<16x1xi32>
    %gather3A_159 = vector.shape_cast %broadcast_in_dim3A_158 : vector<16x1xi32> to vector<16xi32>
    %gather3A_160 = tpu.dynamic_gather %select_n3A_153[%gather3A_159] in [0] : vector<16xf32>, vector<16xi32> -> vector<16xf32>
    %broadcast_in_dim3A_161 = vector.shape_cast %xor3A_157 : vector<16xi32> to vector<16x1xi32>
    %gather3A_162 = vector.shape_cast %broadcast_in_dim3A_161 : vector<16x1xi32> to vector<16xi32>
    %gather3A_163 = tpu.dynamic_gather %select_n3A_154[%gather3A_162] in [0] : vector<16xi32>, vector<16xi32> -> vector<16xi32>
    %gt3A_164 = arith.cmpf ogt, %gather3A_160, %select_n3A_153 : vector<16xf32>
    %eq3A_165 = arith.cmpf oeq, %gather3A_160, %select_n3A_153 : vector<16xf32>
    %lt3A_166 = arith.cmpi slt, %gather3A_163, %select_n3A_154 : vector<16xi32>
    %and3A_167 = arith.andi %eq3A_165, %lt3A_166 : vector<16xi1>
    %or3A_168 = arith.ori %gt3A_164, %and3A_167 : vector<16xi1>
    %select_n3A_169 = arith.select %or3A_168, %gather3A_160, %select_n3A_153 : vector<16xi1>, vector<16xf32>
    %select_n3A_170 = arith.select %or3A_168, %gather3A_163, %select_n3A_154 : vector<16xi1>, vector<16xi32>
    %xor3A_171 = arith.constant 1 : i32
    %xor3A_172 = vector.broadcast %xor3A_171 : i32 to vector<16xi32>
    %xor3A_173 = arith.xori %iota3A, %xor3A_172 : vector<16xi32>
    %broadcast_in_dim3A_174 = vector.shape_cast %xor3A_173 : vector<16xi32> to vector<16x1xi32>
    %gather3A_175 = vector.shape_cast %broadcast_in_dim3A_174 : vector<16x1xi32> to vector<16xi32>
    %gather3A_176 = tpu.dynamic_gather %select_n3A_169[%gather3A_175] in [0] : vector<16xf32>, vector<16xi32> -> vector<16xf32>
    %broadcast_in_dim3A_177 = vector.shape_cast %xor3A_173 : vector<16xi32> to vector<16x1xi32>
    %gather3A_178 = vector.shape_cast %broadcast_in_dim3A_177 : vector<16x1xi32> to vector<16xi32>
    %gather3A_179 = tpu.dynamic_gather %select_n3A_170[%gather3A_178] in [0] : vector<16xi32>, vector<16xi32> -> vector<16xi32>
    %gt3A_180 = arith.cmpf ogt, %gather3A_176, %select_n3A_169 : vector<16xf32>
    %eq3A_181 = arith.cmpf oeq, %gather3A_176, %select_n3A_169 : vector<16xf32>
    %lt3A_182 = arith.cmpi slt, %gather3A_179, %select_n3A_170 : vector<16xi32>
    %and3A_183 = arith.andi %eq3A_181, %lt3A_182 : vector<16xi1>
    %or3A_184 = arith.ori %gt3A_180, %and3A_183 : vector<16xi1>
    %select_n3A_185 = arith.select %or3A_184, %gather3A_176, %select_n3A_169 : vector<16xi1>, vector<16xf32>
    %select_n3A_186 = arith.select %or3A_184, %gather3A_179, %select_n3A_170 : vector<16xi1>, vector<16xi32>
    %eq3A_187 = arith.constant 0 : i32
    %eq3A_188 = vector.broadcast %eq3A_187 : i32 to vector<16xi32>
    %eq3A_189 = arith.cmpi eq, %iota3A, %eq3A_188 : vector<16xi32>
    %select_n3A_190 = arith.select %eq3A_189, %select_n3A_186, %broadcast_in_dim3A_122 : vector<16xi1>, vector<16xi32>
    %get3A_191 = arith.constant 984 : index
    %get3A_192 = tpu.vector_load %arg5[%get3A_191] {strides = array<i32>} : memref<1000xf32, #tpu.memory_space<vmem>>, vector<16xf32>,
    %get3A_193 = vector.shape_cast %get3A_192 : vector<16xf32> to vector<16xf32>
    %gt3A_194 = arith.cmpf ogt, %get3A_193, %scan3A_119#2 : vector<16xf32>
    %select_n3A_195 = arith.select %gt3A_194, %get3A_193, %scan3A_119#2 : vector<16xi1>, vector<16xf32>
    %select_n3A_196 = arith.select %gt3A_194, %add3A_125, %scan3A_119#3 : vector<16xi1>, vector<16xi32>
    %xor3A_197 = arith.constant 8 : i32
    %xor3A_198 = vector.broadcast %xor3A_197 : i32 to vector<16xi32>
    %xor3A_199 = arith.xori %iota3A, %xor3A_198 : vector<16xi32>
    %broadcast_in_dim3A_200 = vector.shape_cast %xor3A_199 : vector<16xi32> to vector<16x1xi32>
    %gather3A_201 = vector.shape_cast %broadcast_in_dim3A_200 : vector<16x1xi32> to vector<16xi32>
    %gather3A_202 = tpu.dynamic_gather %select_n3A_195[%gather3A_201] in [0] : vector<16xf32>, vector<16xi32> -> vector<16xf32>
    %broadcast_in_dim3A_203 = vector.shape_cast %xor3A_199 : vector<16xi32> to vector<16x1xi32>
    %gather3A_204 = vector.shape_cast %broadcast_in_dim3A_203 : vector<16x1xi32> to vector<16xi32>
    %gather3A_205 = tpu.dynamic_gather %select_n3A_196[%gather3A_204] in [0] : vector<16xi32>, vector<16xi32> -> vector<16xi32>
    %gt3A_206 = arith.cmpf ogt, %gather3A_202, %select_n3A_195 : vector<16xf32>
    %eq3A_207 = arith.cmpf oeq, %gather3A_202, %select_n3A_195 : vector<16xf32>
    %lt3A_208 = arith.cmpi slt, %gather3A_205, %select_n3A_196 : vector<16xi32>
    %and3A_209 = arith.andi %eq3A_207, %lt3A_208 : vector<16xi1>
    %or3A_210 = arith.ori %gt3A_206, %and3A_209 : vector<16xi1>
    %select_n3A_211 = arith.select %or3A_210, %gather3A_202, %select_n3A_195 : vector<16xi1>, vector<16xf32>
    %select_n3A_212 = arith.select %or3A_210, %gather3A_205, %select_n3A_196 : vector<16xi1>, vector<16xi32>
    %xor3A_213 = arith.constant 4 : i32
    %xor3A_214 = vector.broadcast %xor3A_213 : i32 to vector<16xi32>
    %xor3A_215 = arith.xori %iota3A, %xor3A_214 : vector<16xi32>
    %broadcast_in_dim3A_216 = vector.shape_cast %xor3A_215 : vector<16xi32> to vector<16x1xi32>
    %gather3A_217 = vector.shape_cast %broadcast_in_dim3A_216 : vector<16x1xi32> to vector<16xi32>
    %gather3A_218 = tpu.dynamic_gather %select_n3A_211[%gather3A_217] in [0] : vector<16xf32>, vector<16xi32> -> vector<16xf32>
    %broadcast_in_dim3A_219 = vector.shape_cast %xor3A_215 : vector<16xi32> to vector<16x1xi32>
    %gather3A_220 = vector.shape_cast %broadcast_in_dim3A_219 : vector<16x1xi32> to vector<16xi32>
    %gather3A_221 = tpu.dynamic_gather %select_n3A_212[%gather3A_220] in [0] : vector<16xi32>, vector<16xi32> -> vector<16xi32>
    %gt3A_222 = arith.cmpf ogt, %gather3A_218, %select_n3A_211 : vector<16xf32>
    %eq3A_223 = arith.cmpf oeq, %gather3A_218, %select_n3A_211 : vector<16xf32>
    %lt3A_224 = arith.cmpi slt, %gather3A_221, %select_n3A_212 : vector<16xi32>
    %and3A_225 = arith.andi %eq3A_223, %lt3A_224 : vector<16xi1>
    %or3A_226 = arith.ori %gt3A_222, %and3A_225 : vector<16xi1>
    %select_n3A_227 = arith.select %or3A_226, %gather3A_218, %select_n3A_211 : vector<16xi1>, vector<16xf32>
    %select_n3A_228 = arith.select %or3A_226, %gather3A_221, %select_n3A_212 : vector<16xi1>, vector<16xi32>
    %xor3A_229 = arith.constant 2 : i32
    %xor3A_230 = vector.broadcast %xor3A_229 : i32 to vector<16xi32>
    %xor3A_231 = arith.xori %iota3A, %xor3A_230 : vector<16xi32>
    %broadcast_in_dim3A_232 = vector.shape_cast %xor3A_231 : vector<16xi32> to vector<16x1xi32>
    %gather3A_233 = vector.shape_cast %broadcast_in_dim3A_232 : vector<16x1xi32> to vector<16xi32>
    %gather3A_234 = tpu.dynamic_gather %select_n3A_227[%gather3A_233] in [0] : vector<16xf32>, vector<16xi32> -> vector<16xf32>
    %broadcast_in_dim3A_235 = vector.shape_cast %xor3A_231 : vector<16xi32> to vector<16x1xi32>
    %gather3A_236 = vector.shape_cast %broadcast_in_dim3A_235 : vector<16x1xi32> to vector<16xi32>
    %gather3A_237 = tpu.dynamic_gather %select_n3A_228[%gather3A_236] in [0] : vector<16xi32>, vector<16xi32> -> vector<16xi32>
    %gt3A_238 = arith.cmpf ogt, %gather3A_234, %select_n3A_227 : vector<16xf32>
    %eq3A_239 = arith.cmpf oeq, %gather3A_234, %select_n3A_227 : vector<16xf32>
    %lt3A_240 = arith.cmpi slt, %gather3A_237, %select_n3A_228 : vector<16xi32>
    %and3A_241 = arith.andi %eq3A_239, %lt3A_240 : vector<16xi1>
    %or3A_242 = arith.ori %gt3A_238, %and3A_241 : vector<16xi1>
    %select_n3A_243 = arith.select %or3A_242, %gather3A_234, %select_n3A_227 : vector<16xi1>, vector<16xf32>
    %select_n3A_244 = arith.select %or3A_242, %gather3A_237, %select_n3A_228 : vector<16xi1>, vector<16xi32>
    %xor3A_245 = arith.constant 1 : i32
    %xor3A_246 = vector.broadcast %xor3A_245 : i32 to vector<16xi32>
    %xor3A_247 = arith.xori %iota3A, %xor3A_246 : vector<16xi32>
    %broadcast_in_dim3A_248 = vector.shape_cast %xor3A_247 : vector<16xi32> to vector<16x1xi32>
    %gather3A_249 = vector.shape_cast %broadcast_in_dim3A_248 : vector<16x1xi32> to vector<16xi32>
    %gather3A_250 = tpu.dynamic_gather %select_n3A_243[%gather3A_249] in [0] : vector<16xf32>, vector<16xi32> -> vector<16xf32>
    %broadcast_in_dim3A_251 = vector.shape_cast %xor3A_247 : vector<16xi32> to vector<16x1xi32>
    %gather3A_252 = vector.shape_cast %broadcast_in_dim3A_251 : vector<16x1xi32> to vector<16xi32>
    %gather3A_253 = tpu.dynamic_gather %select_n3A_244[%gather3A_252] in [0] : vector<16xi32>, vector<16xi32> -> vector<16xi32>
    %gt3A_254 = arith.cmpf ogt, %gather3A_250, %select_n3A_243 : vector<16xf32>
    %eq3A_255 = arith.cmpf oeq, %gather3A_250, %select_n3A_243 : vector<16xf32>
    %lt3A_256 = arith.cmpi slt, %gather3A_253, %select_n3A_244 : vector<16xi32>
    %and3A_257 = arith.andi %eq3A_255, %lt3A_256 : vector<16xi1>
    %or3A_258 = arith.ori %gt3A_254, %and3A_257 : vector<16xi1>
    %select_n3A_259 = arith.select %or3A_258, %gather3A_250, %select_n3A_243 : vector<16xi1>, vector<16xf32>
    %select_n3A_260 = arith.select %or3A_258, %gather3A_253, %select_n3A_244 : vector<16xi1>, vector<16xi32>
    %eq3A_261 = arith.constant 1 : i32
    %eq3A_262 = vector.broadcast %eq3A_261 : i32 to vector<16xi32>
    %eq3A_263 = arith.cmpi eq, %iota3A, %eq3A_262 : vector<16xi32>
    %select_n3A_264 = arith.select %eq3A_263, %select_n3A_260, %select_n3A_190 : vector<16xi1>, vector<16xi32>
    %get3A_265 = arith.constant 984 : index
    %get3A_266 = tpu.vector_load %arg6[%get3A_265] {strides = array<i32>} : memref<1000xf32, #tpu.memory_space<vmem>>, vector<16xf32>,
    %get3A_267 = vector.shape_cast %get3A_266 : vector<16xf32> to vector<16xf32>
    %gt3A_268 = arith.cmpf ogt, %get3A_267, %scan3A_119#4 : vector<16xf32>
    %select_n3A_269 = arith.select %gt3A_268, %get3A_267, %scan3A_119#4 : vector<16xi1>, vector<16xf32>
    %select_n3A_270 = arith.select %gt3A_268, %add3A_125, %scan3A_119#5 : vector<16xi1>, vector<16xi32>
    %xor3A_271 = arith.constant 8 : i32
    %xor3A_272 = vector.broadcast %xor3A_271 : i32 to vector<16xi32>
    %xor3A_273 = arith.xori %iota3A, %xor3A_272 : vector<16xi32>
    %broadcast_in_dim3A_274 = vector.shape_cast %xor3A_273 : vector<16xi32> to vector<16x1xi32>
    %gather3A_275 = vector.shape_cast %broadcast_in_dim3A_274 : vector<16x1xi32> to vector<16xi32>
    %gather3A_276 = tpu.dynamic_gather %select_n3A_269[%gather3A_275] in [0] : vector<16xf32>, vector<16xi32> -> vector<16xf32>
    %broadcast_in_dim3A_277 = vector.shape_cast %xor3A_273 : vector<16xi32> to vector<16x1xi32>
    %gather3A_278 = vector.shape_cast %broadcast_in_dim3A_277 : vector<16x1xi32> to vector<16xi32>
    %gather3A_279 = tpu.dynamic_gather %select_n3A_270[%gather3A_278] in [0] : vector<16xi32>, vector<16xi32> -> vector<16xi32>
    %gt3A_280 = arith.cmpf ogt, %gather3A_276, %select_n3A_269 : vector<16xf32>
    %eq3A_281 = arith.cmpf oeq, %gather3A_276, %select_n3A_269 : vector<16xf32>
    %lt3A_282 = arith.cmpi slt, %gather3A_279, %select_n3A_270 : vector<16xi32>
    %and3A_283 = arith.andi %eq3A_281, %lt3A_282 : vector<16xi1>
    %or3A_284 = arith.ori %gt3A_280, %and3A_283 : vector<16xi1>
    %select_n3A_285 = arith.select %or3A_284, %gather3A_276, %select_n3A_269 : vector<16xi1>, vector<16xf32>
    %select_n3A_286 = arith.select %or3A_284, %gather3A_279, %select_n3A_270 : vector<16xi1>, vector<16xi32>
    %xor3A_287 = arith.constant 4 : i32
    %xor3A_288 = vector.broadcast %xor3A_287 : i32 to vector<16xi32>
    %xor3A_289 = arith.xori %iota3A, %xor3A_288 : vector<16xi32>
    %broadcast_in_dim3A_290 = vector.shape_cast %xor3A_289 : vector<16xi32> to vector<16x1xi32>
    %gather3A_291 = vector.shape_cast %broadcast_in_dim3A_290 : vector<16x1xi32> to vector<16xi32>
    %gather3A_292 = tpu.dynamic_gather %select_n3A_285[%gather3A_291] in [0] : vector<16xf32>, vector<16xi32> -> vector<16xf32>
    %broadcast_in_dim3A_293 = vector.shape_cast %xor3A_289 : vector<16xi32> to vector<16x1xi32>
    %gather3A_294 = vector.shape_cast %broadcast_in_dim3A_293 : vector<16x1xi32> to vector<16xi32>
    %gather3A_295 = tpu.dynamic_gather %select_n3A_286[%gather3A_294] in [0] : vector<16xi32>, vector<16xi32> -> vector<16xi32>
    %gt3A_296 = arith.cmpf ogt, %gather3A_292, %select_n3A_285 : vector<16xf32>
    %eq3A_297 = arith.cmpf oeq, %gather3A_292, %select_n3A_285 : vector<16xf32>
    %lt3A_298 = arith.cmpi slt, %gather3A_295, %select_n3A_286 : vector<16xi32>
    %and3A_299 = arith.andi %eq3A_297, %lt3A_298 : vector<16xi1>
    %or3A_300 = arith.ori %gt3A_296, %and3A_299 : vector<16xi1>
    %select_n3A_301 = arith.select %or3A_300, %gather3A_292, %select_n3A_285 : vector<16xi1>, vector<16xf32>
    %select_n3A_302 = arith.select %or3A_300, %gather3A_295, %select_n3A_286 : vector<16xi1>, vector<16xi32>
    %xor3A_303 = arith.constant 2 : i32
    %xor3A_304 = vector.broadcast %xor3A_303 : i32 to vector<16xi32>
    %xor3A_305 = arith.xori %iota3A, %xor3A_304 : vector<16xi32>
    %broadcast_in_dim3A_306 = vector.shape_cast %xor3A_305 : vector<16xi32> to vector<16x1xi32>
    %gather3A_307 = vector.shape_cast %broadcast_in_dim3A_306 : vector<16x1xi32> to vector<16xi32>
    %gather3A_308 = tpu.dynamic_gather %select_n3A_301[%gather3A_307] in [0] : vector<16xf32>, vector<16xi32> -> vector<16xf32>
    %broadcast_in_dim3A_309 = vector.shape_cast %xor3A_305 : vector<16xi32> to vector<16x1xi32>
    %gather3A_310 = vector.shape_cast %broadcast_in_dim3A_309 : vector<16x1xi32> to vector<16xi32>
    %gather3A_311 = tpu.dynamic_gather %select_n3A_302[%gather3A_310] in [0] : vector<16xi32>, vector<16xi32> -> vector<16xi32>
    %gt3A_312 = arith.cmpf ogt, %gather3A_308, %select_n3A_301 : vector<16xf32>
    %eq3A_313 = arith.cmpf oeq, %gather3A_308, %select_n3A_301 : vector<16xf32>
    %lt3A_314 = arith.cmpi slt, %gather3A_311, %select_n3A_302 : vector<16xi32>
    %and3A_315 = arith.andi %eq3A_313, %lt3A_314 : vector<16xi1>
    %or3A_316 = arith.ori %gt3A_312, %and3A_315 : vector<16xi1>
    %select_n3A_317 = arith.select %or3A_316, %gather3A_308, %select_n3A_301 : vector<16xi1>, vector<16xf32>
    %select_n3A_318 = arith.select %or3A_316, %gather3A_311, %select_n3A_302 : vector<16xi1>, vector<16xi32>
    %xor3A_319 = arith.constant 1 : i32
    %xor3A_320 = vector.broadcast %xor3A_319 : i32 to vector<16xi32>
    %xor3A_321 = arith.xori %iota3A, %xor3A_320 : vector<16xi32>
    %broadcast_in_dim3A_322 = vector.shape_cast %xor3A_321 : vector<16xi32> to vector<16x1xi32>
    %gather3A_323 = vector.shape_cast %broadcast_in_dim3A_322 : vector<16x1xi32> to vector<16xi32>
    %gather3A_324 = tpu.dynamic_gather %select_n3A_317[%gather3A_323] in [0] : vector<16xf32>, vector<16xi32> -> vector<16xf32>
    %broadcast_in_dim3A_325 = vector.shape_cast %xor3A_321 : vector<16xi32> to vector<16x1xi32>
    %gather3A_326 = vector.shape_cast %broadcast_in_dim3A_325 : vector<16x1xi32> to vector<16xi32>
    %gather3A_327 = tpu.dynamic_gather %select_n3A_318[%gather3A_326] in [0] : vector<16xi32>, vector<16xi32> -> vector<16xi32>
    %gt3A_328 = arith.cmpf ogt, %gather3A_324, %select_n3A_317 : vector<16xf32>
    %eq3A_329 = arith.cmpf oeq, %gather3A_324, %select_n3A_317 : vector<16xf32>
    %lt3A_330 = arith.cmpi slt, %gather3A_327, %select_n3A_318 : vector<16xi32>
    %and3A_331 = arith.andi %eq3A_329, %lt3A_330 : vector<16xi1>
    %or3A_332 = arith.ori %gt3A_328, %and3A_331 : vector<16xi1>
    %select_n3A_333 = arith.select %or3A_332, %gather3A_324, %select_n3A_317 : vector<16xi1>, vector<16xf32>
    %select_n3A_334 = arith.select %or3A_332, %gather3A_327, %select_n3A_318 : vector<16xi1>, vector<16xi32>
    %eq3A_335 = arith.constant 2 : i32
    %eq3A_336 = vector.broadcast %eq3A_335 : i32 to vector<16xi32>
    %eq3A_337 = arith.cmpi eq, %iota3A, %eq3A_336 : vector<16xi32>
    %select_n3A_338 = arith.select %eq3A_337, %select_n3A_334, %select_n3A_264 : vector<16xi1>, vector<16xi32>
    %get3A_339 = arith.constant 984 : index
    %get3A_340 = tpu.vector_load %arg7[%get3A_339] {strides = array<i32>} : memref<1000xf32, #tpu.memory_space<vmem>>, vector<16xf32>,
    %get3A_341 = vector.shape_cast %get3A_340 : vector<16xf32> to vector<16xf32>
    %gt3A_342 = arith.cmpf ogt, %get3A_341, %scan3A_119#6 : vector<16xf32>
    %select_n3A_343 = arith.select %gt3A_342, %get3A_341, %scan3A_119#6 : vector<16xi1>, vector<16xf32>
    %select_n3A_344 = arith.select %gt3A_342, %add3A_125, %scan3A_119#7 : vector<16xi1>, vector<16xi32>
    %xor3A_345 = arith.constant 8 : i32
    %xor3A_346 = vector.broadcast %xor3A_345 : i32 to vector<16xi32>
    %xor3A_347 = arith.xori %iota3A, %xor3A_346 : vector<16xi32>
    %broadcast_in_dim3A_348 = vector.shape_cast %xor3A_347 : vector<16xi32> to vector<16x1xi32>
    %gather3A_349 = vector.shape_cast %broadcast_in_dim3A_348 : vector<16x1xi32> to vector<16xi32>
    %gather3A_350 = tpu.dynamic_gather %select_n3A_343[%gather3A_349] in [0] : vector<16xf32>, vector<16xi32> -> vector<16xf32>
    %broadcast_in_dim3A_351 = vector.shape_cast %xor3A_347 : vector<16xi32> to vector<16x1xi32>
    %gather3A_352 = vector.shape_cast %broadcast_in_dim3A_351 : vector<16x1xi32> to vector<16xi32>
    %gather3A_353 = tpu.dynamic_gather %select_n3A_344[%gather3A_352] in [0] : vector<16xi32>, vector<16xi32> -> vector<16xi32>
    %gt3A_354 = arith.cmpf ogt, %gather3A_350, %select_n3A_343 : vector<16xf32>
    %eq3A_355 = arith.cmpf oeq, %gather3A_350, %select_n3A_343 : vector<16xf32>
    %lt3A_356 = arith.cmpi slt, %gather3A_353, %select_n3A_344 : vector<16xi32>
    %and3A_357 = arith.andi %eq3A_355, %lt3A_356 : vector<16xi1>
    %or3A_358 = arith.ori %gt3A_354, %and3A_357 : vector<16xi1>
    %select_n3A_359 = arith.select %or3A_358, %gather3A_350, %select_n3A_343 : vector<16xi1>, vector<16xf32>
    %select_n3A_360 = arith.select %or3A_358, %gather3A_353, %select_n3A_344 : vector<16xi1>, vector<16xi32>
    %xor3A_361 = arith.constant 4 : i32
    %xor3A_362 = vector.broadcast %xor3A_361 : i32 to vector<16xi32>
    %xor3A_363 = arith.xori %iota3A, %xor3A_362 : vector<16xi32>
    %broadcast_in_dim3A_364 = vector.shape_cast %xor3A_363 : vector<16xi32> to vector<16x1xi32>
    %gather3A_365 = vector.shape_cast %broadcast_in_dim3A_364 : vector<16x1xi32> to vector<16xi32>
    %gather3A_366 = tpu.dynamic_gather %select_n3A_359[%gather3A_365] in [0] : vector<16xf32>, vector<16xi32> -> vector<16xf32>
    %broadcast_in_dim3A_367 = vector.shape_cast %xor3A_363 : vector<16xi32> to vector<16x1xi32>
    %gather3A_368 = vector.shape_cast %broadcast_in_dim3A_367 : vector<16x1xi32> to vector<16xi32>
    %gather3A_369 = tpu.dynamic_gather %select_n3A_360[%gather3A_368] in [0] : vector<16xi32>, vector<16xi32> -> vector<16xi32>
    %gt3A_370 = arith.cmpf ogt, %gather3A_366, %select_n3A_359 : vector<16xf32>
    %eq3A_371 = arith.cmpf oeq, %gather3A_366, %select_n3A_359 : vector<16xf32>
    %lt3A_372 = arith.cmpi slt, %gather3A_369, %select_n3A_360 : vector<16xi32>
    %and3A_373 = arith.andi %eq3A_371, %lt3A_372 : vector<16xi1>
    %or3A_374 = arith.ori %gt3A_370, %and3A_373 : vector<16xi1>
    %select_n3A_375 = arith.select %or3A_374, %gather3A_366, %select_n3A_359 : vector<16xi1>, vector<16xf32>
    %select_n3A_376 = arith.select %or3A_374, %gather3A_369, %select_n3A_360 : vector<16xi1>, vector<16xi32>
    %xor3A_377 = arith.constant 2 : i32
    %xor3A_378 = vector.broadcast %xor3A_377 : i32 to vector<16xi32>
    %xor3A_379 = arith.xori %iota3A, %xor3A_378 : vector<16xi32>
    %broadcast_in_dim3A_380 = vector.shape_cast %xor3A_379 : vector<16xi32> to vector<16x1xi32>
    %gather3A_381 = vector.shape_cast %broadcast_in_dim3A_380 : vector<16x1xi32> to vector<16xi32>
    %gather3A_382 = tpu.dynamic_gather %select_n3A_375[%gather3A_381] in [0] : vector<16xf32>, vector<16xi32> -> vector<16xf32>
    %broadcast_in_dim3A_383 = vector.shape_cast %xor3A_379 : vector<16xi32> to vector<16x1xi32>
    %gather3A_384 = vector.shape_cast %broadcast_in_dim3A_383 : vector<16x1xi32> to vector<16xi32>
    %gather3A_385 = tpu.dynamic_gather %select_n3A_376[%gather3A_384] in [0] : vector<16xi32>, vector<16xi32> -> vector<16xi32>
    %gt3A_386 = arith.cmpf ogt, %gather3A_382, %select_n3A_375 : vector<16xf32>
    %eq3A_387 = arith.cmpf oeq, %gather3A_382, %select_n3A_375 : vector<16xf32>
    %lt3A_388 = arith.cmpi slt, %gather3A_385, %select_n3A_376 : vector<16xi32>
    %and3A_389 = arith.andi %eq3A_387, %lt3A_388 : vector<16xi1>
    %or3A_390 = arith.ori %gt3A_386, %and3A_389 : vector<16xi1>
    %select_n3A_391 = arith.select %or3A_390, %gather3A_382, %select_n3A_375 : vector<16xi1>, vector<16xf32>
    %select_n3A_392 = arith.select %or3A_390, %gather3A_385, %select_n3A_376 : vector<16xi1>, vector<16xi32>
    %xor3A_393 = arith.constant 1 : i32
    %xor3A_394 = vector.broadcast %xor3A_393 : i32 to vector<16xi32>
    %xor3A_395 = arith.xori %iota3A, %xor3A_394 : vector<16xi32>
    %broadcast_in_dim3A_396 = vector.shape_cast %xor3A_395 : vector<16xi32> to vector<16x1xi32>
    %gather3A_397 = vector.shape_cast %broadcast_in_dim3A_396 : vector<16x1xi32> to vector<16xi32>
    %gather3A_398 = tpu.dynamic_gather %select_n3A_391[%gather3A_397] in [0] : vector<16xf32>, vector<16xi32> -> vector<16xf32>
    %broadcast_in_dim3A_399 = vector.shape_cast %xor3A_395 : vector<16xi32> to vector<16x1xi32>
    %gather3A_400 = vector.shape_cast %broadcast_in_dim3A_399 : vector<16x1xi32> to vector<16xi32>
    %gather3A_401 = tpu.dynamic_gather %select_n3A_392[%gather3A_400] in [0] : vector<16xi32>, vector<16xi32> -> vector<16xi32>
    %gt3A_402 = arith.cmpf ogt, %gather3A_398, %select_n3A_391 : vector<16xf32>
    %eq3A_403 = arith.cmpf oeq, %gather3A_398, %select_n3A_391 : vector<16xf32>
    %lt3A_404 = arith.cmpi slt, %gather3A_401, %select_n3A_392 : vector<16xi32>
    %and3A_405 = arith.andi %eq3A_403, %lt3A_404 : vector<16xi1>
    %or3A_406 = arith.ori %gt3A_402, %and3A_405 : vector<16xi1>
    %select_n3A_407 = arith.select %or3A_406, %gather3A_398, %select_n3A_391 : vector<16xi1>, vector<16xf32>
    %select_n3A_408 = arith.select %or3A_406, %gather3A_401, %select_n3A_392 : vector<16xi1>, vector<16xi32>
    %eq3A_409 = arith.constant 3 : i32
    %eq3A_410 = vector.broadcast %eq3A_409 : i32 to vector<16xi32>
    %eq3A_411 = arith.cmpi eq, %iota3A, %eq3A_410 : vector<16xi32>
    %select_n3A_412 = arith.select %eq3A_411, %select_n3A_408, %select_n3A_338 : vector<16xi1>, vector<16xi32>
    %get3A_413 = arith.constant 984 : index
    %get3A_414 = tpu.vector_load %arg8[%get3A_413] {strides = array<i32>} : memref<1000xf32, #tpu.memory_space<vmem>>, vector<16xf32>,
    %get3A_415 = vector.shape_cast %get3A_414 : vector<16xf32> to vector<16xf32>
    %gt3A_416 = arith.cmpf ogt, %get3A_415, %scan3A_119#8 : vector<16xf32>
    %select_n3A_417 = arith.select %gt3A_416, %get3A_415, %scan3A_119#8 : vector<16xi1>, vector<16xf32>
    %select_n3A_418 = arith.select %gt3A_416, %add3A_125, %scan3A_119#9 : vector<16xi1>, vector<16xi32>
    %xor3A_419 = arith.constant 8 : i32
    %xor3A_420 = vector.broadcast %xor3A_419 : i32 to vector<16xi32>
    %xor3A_421 = arith.xori %iota3A, %xor3A_420 : vector<16xi32>
    %broadcast_in_dim3A_422 = vector.shape_cast %xor3A_421 : vector<16xi32> to vector<16x1xi32>
    %gather3A_423 = vector.shape_cast %broadcast_in_dim3A_422 : vector<16x1xi32> to vector<16xi32>
    %gather3A_424 = tpu.dynamic_gather %select_n3A_417[%gather3A_423] in [0] : vector<16xf32>, vector<16xi32> -> vector<16xf32>
    %broadcast_in_dim3A_425 = vector.shape_cast %xor3A_421 : vector<16xi32> to vector<16x1xi32>
    %gather3A_426 = vector.shape_cast %broadcast_in_dim3A_425 : vector<16x1xi32> to vector<16xi32>
    %gather3A_427 = tpu.dynamic_gather %select_n3A_418[%gather3A_426] in [0] : vector<16xi32>, vector<16xi32> -> vector<16xi32>
    %gt3A_428 = arith.cmpf ogt, %gather3A_424, %select_n3A_417 : vector<16xf32>
    %eq3A_429 = arith.cmpf oeq, %gather3A_424, %select_n3A_417 : vector<16xf32>
    %lt3A_430 = arith.cmpi slt, %gather3A_427, %select_n3A_418 : vector<16xi32>
    %and3A_431 = arith.andi %eq3A_429, %lt3A_430 : vector<16xi1>
    %or3A_432 = arith.ori %gt3A_428, %and3A_431 : vector<16xi1>
    %select_n3A_433 = arith.select %or3A_432, %gather3A_424, %select_n3A_417 : vector<16xi1>, vector<16xf32>
    %select_n3A_434 = arith.select %or3A_432, %gather3A_427, %select_n3A_418 : vector<16xi1>, vector<16xi32>
    %xor3A_435 = arith.constant 4 : i32
    %xor3A_436 = vector.broadcast %xor3A_435 : i32 to vector<16xi32>
    %xor3A_437 = arith.xori %iota3A, %xor3A_436 : vector<16xi32>
    %broadcast_in_dim3A_438 = vector.shape_cast %xor3A_437 : vector<16xi32> to vector<16x1xi32>
    %gather3A_439 = vector.shape_cast %broadcast_in_dim3A_438 : vector<16x1xi32> to vector<16xi32>
    %gather3A_440 = tpu.dynamic_gather %select_n3A_433[%gather3A_439] in [0] : vector<16xf32>, vector<16xi32> -> vector<16xf32>
    %broadcast_in_dim3A_441 = vector.shape_cast %xor3A_437 : vector<16xi32> to vector<16x1xi32>
    %gather3A_442 = vector.shape_cast %broadcast_in_dim3A_441 : vector<16x1xi32> to vector<16xi32>
    %gather3A_443 = tpu.dynamic_gather %select_n3A_434[%gather3A_442] in [0] : vector<16xi32>, vector<16xi32> -> vector<16xi32>
    %gt3A_444 = arith.cmpf ogt, %gather3A_440, %select_n3A_433 : vector<16xf32>
    %eq3A_445 = arith.cmpf oeq, %gather3A_440, %select_n3A_433 : vector<16xf32>
    %lt3A_446 = arith.cmpi slt, %gather3A_443, %select_n3A_434 : vector<16xi32>
    %and3A_447 = arith.andi %eq3A_445, %lt3A_446 : vector<16xi1>
    %or3A_448 = arith.ori %gt3A_444, %and3A_447 : vector<16xi1>
    %select_n3A_449 = arith.select %or3A_448, %gather3A_440, %select_n3A_433 : vector<16xi1>, vector<16xf32>
    %select_n3A_450 = arith.select %or3A_448, %gather3A_443, %select_n3A_434 : vector<16xi1>, vector<16xi32>
    %xor3A_451 = arith.constant 2 : i32
    %xor3A_452 = vector.broadcast %xor3A_451 : i32 to vector<16xi32>
    %xor3A_453 = arith.xori %iota3A, %xor3A_452 : vector<16xi32>
    %broadcast_in_dim3A_454 = vector.shape_cast %xor3A_453 : vector<16xi32> to vector<16x1xi32>
    %gather3A_455 = vector.shape_cast %broadcast_in_dim3A_454 : vector<16x1xi32> to vector<16xi32>
    %gather3A_456 = tpu.dynamic_gather %select_n3A_449[%gather3A_455] in [0] : vector<16xf32>, vector<16xi32> -> vector<16xf32>
    %broadcast_in_dim3A_457 = vector.shape_cast %xor3A_453 : vector<16xi32> to vector<16x1xi32>
    %gather3A_458 = vector.shape_cast %broadcast_in_dim3A_457 : vector<16x1xi32> to vector<16xi32>
    %gather3A_459 = tpu.dynamic_gather %select_n3A_450[%gather3A_458] in [0] : vector<16xi32>, vector<16xi32> -> vector<16xi32>
    %gt3A_460 = arith.cmpf ogt, %gather3A_456, %select_n3A_449 : vector<16xf32>
    %eq3A_461 = arith.cmpf oeq, %gather3A_456, %select_n3A_449 : vector<16xf32>
    %lt3A_462 = arith.cmpi slt, %gather3A_459, %select_n3A_450 : vector<16xi32>
    %and3A_463 = arith.andi %eq3A_461, %lt3A_462 : vector<16xi1>
    %or3A_464 = arith.ori %gt3A_460, %and3A_463 : vector<16xi1>
    %select_n3A_465 = arith.select %or3A_464, %gather3A_456, %select_n3A_449 : vector<16xi1>, vector<16xf32>
    %select_n3A_466 = arith.select %or3A_464, %gather3A_459, %select_n3A_450 : vector<16xi1>, vector<16xi32>
    %xor3A_467 = arith.constant 1 : i32
    %xor3A_468 = vector.broadcast %xor3A_467 : i32 to vector<16xi32>
    %xor3A_469 = arith.xori %iota3A, %xor3A_468 : vector<16xi32>
    %broadcast_in_dim3A_470 = vector.shape_cast %xor3A_469 : vector<16xi32> to vector<16x1xi32>
    %gather3A_471 = vector.shape_cast %broadcast_in_dim3A_470 : vector<16x1xi32> to vector<16xi32>
    %gather3A_472 = tpu.dynamic_gather %select_n3A_465[%gather3A_471] in [0] : vector<16xf32>, vector<16xi32> -> vector<16xf32>
    %broadcast_in_dim3A_473 = vector.shape_cast %xor3A_469 : vector<16xi32> to vector<16x1xi32>
    %gather3A_474 = vector.shape_cast %broadcast_in_dim3A_473 : vector<16x1xi32> to vector<16xi32>
    %gather3A_475 = tpu.dynamic_gather %select_n3A_466[%gather3A_474] in [0] : vector<16xi32>, vector<16xi32> -> vector<16xi32>
    %gt3A_476 = arith.cmpf ogt, %gather3A_472, %select_n3A_465 : vector<16xf32>
    %eq3A_477 = arith.cmpf oeq, %gather3A_472, %select_n3A_465 : vector<16xf32>
    %lt3A_478 = arith.cmpi slt, %gather3A_475, %select_n3A_466 : vector<16xi32>
    %and3A_479 = arith.andi %eq3A_477, %lt3A_478 : vector<16xi1>
    %or3A_480 = arith.ori %gt3A_476, %and3A_479 : vector<16xi1>
    %select_n3A_481 = arith.select %or3A_480, %gather3A_472, %select_n3A_465 : vector<16xi1>, vector<16xf32>
    %select_n3A_482 = arith.select %or3A_480, %gather3A_475, %select_n3A_466 : vector<16xi1>, vector<16xi32>
    %eq3A_483 = arith.constant 4 : i32
    %eq3A_484 = vector.broadcast %eq3A_483 : i32 to vector<16xi32>
    %eq3A_485 = arith.cmpi eq, %iota3A, %eq3A_484 : vector<16xi32>
    %select_n3A_486 = arith.select %eq3A_485, %select_n3A_482, %select_n3A_412 : vector<16xi1>, vector<16xi32>
    %get3A_487 = arith.constant 984 : index
    %get3A_488 = tpu.vector_load %arg9[%get3A_487] {strides = array<i32>} : memref<1000xf32, #tpu.memory_space<vmem>>, vector<16xf32>,
    %get3A_489 = vector.shape_cast %get3A_488 : vector<16xf32> to vector<16xf32>
    %gt3A_490 = arith.cmpf ogt, %get3A_489, %scan3A_119#10 : vector<16xf32>
    %select_n3A_491 = arith.select %gt3A_490, %get3A_489, %scan3A_119#10 : vector<16xi1>, vector<16xf32>
    %select_n3A_492 = arith.select %gt3A_490, %add3A_125, %scan3A_119#11 : vector<16xi1>, vector<16xi32>
    %xor3A_493 = arith.constant 8 : i32
    %xor3A_494 = vector.broadcast %xor3A_493 : i32 to vector<16xi32>
    %xor3A_495 = arith.xori %iota3A, %xor3A_494 : vector<16xi32>
    %broadcast_in_dim3A_496 = vector.shape_cast %xor3A_495 : vector<16xi32> to vector<16x1xi32>
    %gather3A_497 = vector.shape_cast %broadcast_in_dim3A_496 : vector<16x1xi32> to vector<16xi32>
    %gather3A_498 = tpu.dynamic_gather %select_n3A_491[%gather3A_497] in [0] : vector<16xf32>, vector<16xi32> -> vector<16xf32>
    %broadcast_in_dim3A_499 = vector.shape_cast %xor3A_495 : vector<16xi32> to vector<16x1xi32>
    %gather3A_500 = vector.shape_cast %broadcast_in_dim3A_499 : vector<16x1xi32> to vector<16xi32>
    %gather3A_501 = tpu.dynamic_gather %select_n3A_492[%gather3A_500] in [0] : vector<16xi32>, vector<16xi32> -> vector<16xi32>
    %gt3A_502 = arith.cmpf ogt, %gather3A_498, %select_n3A_491 : vector<16xf32>
    %eq3A_503 = arith.cmpf oeq, %gather3A_498, %select_n3A_491 : vector<16xf32>
    %lt3A_504 = arith.cmpi slt, %gather3A_501, %select_n3A_492 : vector<16xi32>
    %and3A_505 = arith.andi %eq3A_503, %lt3A_504 : vector<16xi1>
    %or3A_506 = arith.ori %gt3A_502, %and3A_505 : vector<16xi1>
    %select_n3A_507 = arith.select %or3A_506, %gather3A_498, %select_n3A_491 : vector<16xi1>, vector<16xf32>
    %select_n3A_508 = arith.select %or3A_506, %gather3A_501, %select_n3A_492 : vector<16xi1>, vector<16xi32>
    %xor3A_509 = arith.constant 4 : i32
    %xor3A_510 = vector.broadcast %xor3A_509 : i32 to vector<16xi32>
    %xor3A_511 = arith.xori %iota3A, %xor3A_510 : vector<16xi32>
    %broadcast_in_dim3A_512 = vector.shape_cast %xor3A_511 : vector<16xi32> to vector<16x1xi32>
    %gather3A_513 = vector.shape_cast %broadcast_in_dim3A_512 : vector<16x1xi32> to vector<16xi32>
    %gather3A_514 = tpu.dynamic_gather %select_n3A_507[%gather3A_513] in [0] : vector<16xf32>, vector<16xi32> -> vector<16xf32>
    %broadcast_in_dim3A_515 = vector.shape_cast %xor3A_511 : vector<16xi32> to vector<16x1xi32>
    %gather3A_516 = vector.shape_cast %broadcast_in_dim3A_515 : vector<16x1xi32> to vector<16xi32>
    %gather3A_517 = tpu.dynamic_gather %select_n3A_508[%gather3A_516] in [0] : vector<16xi32>, vector<16xi32> -> vector<16xi32>
    %gt3A_518 = arith.cmpf ogt, %gather3A_514, %select_n3A_507 : vector<16xf32>
    %eq3A_519 = arith.cmpf oeq, %gather3A_514, %select_n3A_507 : vector<16xf32>
    %lt3A_520 = arith.cmpi slt, %gather3A_517, %select_n3A_508 : vector<16xi32>
    %and3A_521 = arith.andi %eq3A_519, %lt3A_520 : vector<16xi1>
    %or3A_522 = arith.ori %gt3A_518, %and3A_521 : vector<16xi1>
    %select_n3A_523 = arith.select %or3A_522, %gather3A_514, %select_n3A_507 : vector<16xi1>, vector<16xf32>
    %select_n3A_524 = arith.select %or3A_522, %gather3A_517, %select_n3A_508 : vector<16xi1>, vector<16xi32>
    %xor3A_525 = arith.constant 2 : i32
    %xor3A_526 = vector.broadcast %xor3A_525 : i32 to vector<16xi32>
    %xor3A_527 = arith.xori %iota3A, %xor3A_526 : vector<16xi32>
    %broadcast_in_dim3A_528 = vector.shape_cast %xor3A_527 : vector<16xi32> to vector<16x1xi32>
    %gather3A_529 = vector.shape_cast %broadcast_in_dim3A_528 : vector<16x1xi32> to vector<16xi32>
    %gather3A_530 = tpu.dynamic_gather %select_n3A_523[%gather3A_529] in [0] : vector<16xf32>, vector<16xi32> -> vector<16xf32>
    %broadcast_in_dim3A_531 = vector.shape_cast %xor3A_527 : vector<16xi32> to vector<16x1xi32>
    %gather3A_532 = vector.shape_cast %broadcast_in_dim3A_531 : vector<16x1xi32> to vector<16xi32>
    %gather3A_533 = tpu.dynamic_gather %select_n3A_524[%gather3A_532] in [0] : vector<16xi32>, vector<16xi32> -> vector<16xi32>
    %gt3A_534 = arith.cmpf ogt, %gather3A_530, %select_n3A_523 : vector<16xf32>
    %eq3A_535 = arith.cmpf oeq, %gather3A_530, %select_n3A_523 : vector<16xf32>
    %lt3A_536 = arith.cmpi slt, %gather3A_533, %select_n3A_524 : vector<16xi32>
    %and3A_537 = arith.andi %eq3A_535, %lt3A_536 : vector<16xi1>
    %or3A_538 = arith.ori %gt3A_534, %and3A_537 : vector<16xi1>
    %select_n3A_539 = arith.select %or3A_538, %gather3A_530, %select_n3A_523 : vector<16xi1>, vector<16xf32>
    %select_n3A_540 = arith.select %or3A_538, %gather3A_533, %select_n3A_524 : vector<16xi1>, vector<16xi32>
    %xor3A_541 = arith.constant 1 : i32
    %xor3A_542 = vector.broadcast %xor3A_541 : i32 to vector<16xi32>
    %xor3A_543 = arith.xori %iota3A, %xor3A_542 : vector<16xi32>
    %broadcast_in_dim3A_544 = vector.shape_cast %xor3A_543 : vector<16xi32> to vector<16x1xi32>
    %gather3A_545 = vector.shape_cast %broadcast_in_dim3A_544 : vector<16x1xi32> to vector<16xi32>
    %gather3A_546 = tpu.dynamic_gather %select_n3A_539[%gather3A_545] in [0] : vector<16xf32>, vector<16xi32> -> vector<16xf32>
    %broadcast_in_dim3A_547 = vector.shape_cast %xor3A_543 : vector<16xi32> to vector<16x1xi32>
    %gather3A_548 = vector.shape_cast %broadcast_in_dim3A_547 : vector<16x1xi32> to vector<16xi32>
    %gather3A_549 = tpu.dynamic_gather %select_n3A_540[%gather3A_548] in [0] : vector<16xi32>, vector<16xi32> -> vector<16xi32>
    %gt3A_550 = arith.cmpf ogt, %gather3A_546, %select_n3A_539 : vector<16xf32>
    %eq3A_551 = arith.cmpf oeq, %gather3A_546, %select_n3A_539 : vector<16xf32>
    %lt3A_552 = arith.cmpi slt, %gather3A_549, %select_n3A_540 : vector<16xi32>
    %and3A_553 = arith.andi %eq3A_551, %lt3A_552 : vector<16xi1>
    %or3A_554 = arith.ori %gt3A_550, %and3A_553 : vector<16xi1>
    %select_n3A_555 = arith.select %or3A_554, %gather3A_546, %select_n3A_539 : vector<16xi1>, vector<16xf32>
    %select_n3A_556 = arith.select %or3A_554, %gather3A_549, %select_n3A_540 : vector<16xi1>, vector<16xi32>
    %eq3A_557 = arith.constant 5 : i32
    %eq3A_558 = vector.broadcast %eq3A_557 : i32 to vector<16xi32>
    %eq3A_559 = arith.cmpi eq, %iota3A, %eq3A_558 : vector<16xi32>
    %select_n3A_560 = arith.select %eq3A_559, %select_n3A_556, %select_n3A_486 : vector<16xi1>, vector<16xi32>
    %get3A_561 = arith.constant 984 : index
    %get3A_562 = tpu.vector_load %arg10[%get3A_561] {strides = array<i32>} : memref<1000xf32, #tpu.memory_space<vmem>>, vector<16xf32>,
    %get3A_563 = vector.shape_cast %get3A_562 : vector<16xf32> to vector<16xf32>
    %gt3A_564 = arith.cmpf ogt, %get3A_563, %scan3A_119#12 : vector<16xf32>
    %select_n3A_565 = arith.select %gt3A_564, %get3A_563, %scan3A_119#12 : vector<16xi1>, vector<16xf32>
    %select_n3A_566 = arith.select %gt3A_564, %add3A_125, %scan3A_119#13 : vector<16xi1>, vector<16xi32>
    %xor3A_567 = arith.constant 8 : i32
    %xor3A_568 = vector.broadcast %xor3A_567 : i32 to vector<16xi32>
    %xor3A_569 = arith.xori %iota3A, %xor3A_568 : vector<16xi32>
    %broadcast_in_dim3A_570 = vector.shape_cast %xor3A_569 : vector<16xi32> to vector<16x1xi32>
    %gather3A_571 = vector.shape_cast %broadcast_in_dim3A_570 : vector<16x1xi32> to vector<16xi32>
    %gather3A_572 = tpu.dynamic_gather %select_n3A_565[%gather3A_571] in [0] : vector<16xf32>, vector<16xi32> -> vector<16xf32>
    %broadcast_in_dim3A_573 = vector.shape_cast %xor3A_569 : vector<16xi32> to vector<16x1xi32>
    %gather3A_574 = vector.shape_cast %broadcast_in_dim3A_573 : vector<16x1xi32> to vector<16xi32>
    %gather3A_575 = tpu.dynamic_gather %select_n3A_566[%gather3A_574] in [0] : vector<16xi32>, vector<16xi32> -> vector<16xi32>
    %gt3A_576 = arith.cmpf ogt, %gather3A_572, %select_n3A_565 : vector<16xf32>
    %eq3A_577 = arith.cmpf oeq, %gather3A_572, %select_n3A_565 : vector<16xf32>
    %lt3A_578 = arith.cmpi slt, %gather3A_575, %select_n3A_566 : vector<16xi32>
    %and3A_579 = arith.andi %eq3A_577, %lt3A_578 : vector<16xi1>
    %or3A_580 = arith.ori %gt3A_576, %and3A_579 : vector<16xi1>
    %select_n3A_581 = arith.select %or3A_580, %gather3A_572, %select_n3A_565 : vector<16xi1>, vector<16xf32>
    %select_n3A_582 = arith.select %or3A_580, %gather3A_575, %select_n3A_566 : vector<16xi1>, vector<16xi32>
    %xor3A_583 = arith.constant 4 : i32
    %xor3A_584 = vector.broadcast %xor3A_583 : i32 to vector<16xi32>
    %xor3A_585 = arith.xori %iota3A, %xor3A_584 : vector<16xi32>
    %broadcast_in_dim3A_586 = vector.shape_cast %xor3A_585 : vector<16xi32> to vector<16x1xi32>
    %gather3A_587 = vector.shape_cast %broadcast_in_dim3A_586 : vector<16x1xi32> to vector<16xi32>
    %gather3A_588 = tpu.dynamic_gather %select_n3A_581[%gather3A_587] in [0] : vector<16xf32>, vector<16xi32> -> vector<16xf32>
    %broadcast_in_dim3A_589 = vector.shape_cast %xor3A_585 : vector<16xi32> to vector<16x1xi32>
    %gather3A_590 = vector.shape_cast %broadcast_in_dim3A_589 : vector<16x1xi32> to vector<16xi32>
    %gather3A_591 = tpu.dynamic_gather %select_n3A_582[%gather3A_590] in [0] : vector<16xi32>, vector<16xi32> -> vector<16xi32>
    %gt3A_592 = arith.cmpf ogt, %gather3A_588, %select_n3A_581 : vector<16xf32>
    %eq3A_593 = arith.cmpf oeq, %gather3A_588, %select_n3A_581 : vector<16xf32>
    %lt3A_594 = arith.cmpi slt, %gather3A_591, %select_n3A_582 : vector<16xi32>
    %and3A_595 = arith.andi %eq3A_593, %lt3A_594 : vector<16xi1>
    %or3A_596 = arith.ori %gt3A_592, %and3A_595 : vector<16xi1>
    %select_n3A_597 = arith.select %or3A_596, %gather3A_588, %select_n3A_581 : vector<16xi1>, vector<16xf32>
    %select_n3A_598 = arith.select %or3A_596, %gather3A_591, %select_n3A_582 : vector<16xi1>, vector<16xi32>
    %xor3A_599 = arith.constant 2 : i32
    %xor3A_600 = vector.broadcast %xor3A_599 : i32 to vector<16xi32>
    %xor3A_601 = arith.xori %iota3A, %xor3A_600 : vector<16xi32>
    %broadcast_in_dim3A_602 = vector.shape_cast %xor3A_601 : vector<16xi32> to vector<16x1xi32>
    %gather3A_603 = vector.shape_cast %broadcast_in_dim3A_602 : vector<16x1xi32> to vector<16xi32>
    %gather3A_604 = tpu.dynamic_gather %select_n3A_597[%gather3A_603] in [0] : vector<16xf32>, vector<16xi32> -> vector<16xf32>
    %broadcast_in_dim3A_605 = vector.shape_cast %xor3A_601 : vector<16xi32> to vector<16x1xi32>
    %gather3A_606 = vector.shape_cast %broadcast_in_dim3A_605 : vector<16x1xi32> to vector<16xi32>
    %gather3A_607 = tpu.dynamic_gather %select_n3A_598[%gather3A_606] in [0] : vector<16xi32>, vector<16xi32> -> vector<16xi32>
    %gt3A_608 = arith.cmpf ogt, %gather3A_604, %select_n3A_597 : vector<16xf32>
    %eq3A_609 = arith.cmpf oeq, %gather3A_604, %select_n3A_597 : vector<16xf32>
    %lt3A_610 = arith.cmpi slt, %gather3A_607, %select_n3A_598 : vector<16xi32>
    %and3A_611 = arith.andi %eq3A_609, %lt3A_610 : vector<16xi1>
    %or3A_612 = arith.ori %gt3A_608, %and3A_611 : vector<16xi1>
    %select_n3A_613 = arith.select %or3A_612, %gather3A_604, %select_n3A_597 : vector<16xi1>, vector<16xf32>
    %select_n3A_614 = arith.select %or3A_612, %gather3A_607, %select_n3A_598 : vector<16xi1>, vector<16xi32>
    %xor3A_615 = arith.constant 1 : i32
    %xor3A_616 = vector.broadcast %xor3A_615 : i32 to vector<16xi32>
    %xor3A_617 = arith.xori %iota3A, %xor3A_616 : vector<16xi32>
    %broadcast_in_dim3A_618 = vector.shape_cast %xor3A_617 : vector<16xi32> to vector<16x1xi32>
    %gather3A_619 = vector.shape_cast %broadcast_in_dim3A_618 : vector<16x1xi32> to vector<16xi32>
    %gather3A_620 = tpu.dynamic_gather %select_n3A_613[%gather3A_619] in [0] : vector<16xf32>, vector<16xi32> -> vector<16xf32>
    %broadcast_in_dim3A_621 = vector.shape_cast %xor3A_617 : vector<16xi32> to vector<16x1xi32>
    %gather3A_622 = vector.shape_cast %broadcast_in_dim3A_621 : vector<16x1xi32> to vector<16xi32>
    %gather3A_623 = tpu.dynamic_gather %select_n3A_614[%gather3A_622] in [0] : vector<16xi32>, vector<16xi32> -> vector<16xi32>
    %gt3A_624 = arith.cmpf ogt, %gather3A_620, %select_n3A_613 : vector<16xf32>
    %eq3A_625 = arith.cmpf oeq, %gather3A_620, %select_n3A_613 : vector<16xf32>
    %lt3A_626 = arith.cmpi slt, %gather3A_623, %select_n3A_614 : vector<16xi32>
    %and3A_627 = arith.andi %eq3A_625, %lt3A_626 : vector<16xi1>
    %or3A_628 = arith.ori %gt3A_624, %and3A_627 : vector<16xi1>
    %select_n3A_629 = arith.select %or3A_628, %gather3A_620, %select_n3A_613 : vector<16xi1>, vector<16xf32>
    %select_n3A_630 = arith.select %or3A_628, %gather3A_623, %select_n3A_614 : vector<16xi1>, vector<16xi32>
    %eq3A_631 = arith.constant 6 : i32
    %eq3A_632 = vector.broadcast %eq3A_631 : i32 to vector<16xi32>
    %eq3A_633 = arith.cmpi eq, %iota3A, %eq3A_632 : vector<16xi32>
    %select_n3A_634 = arith.select %eq3A_633, %select_n3A_630, %select_n3A_560 : vector<16xi1>, vector<16xi32>
    %get3A_635 = arith.constant 984 : index
    %get3A_636 = tpu.vector_load %arg11[%get3A_635] {strides = array<i32>} : memref<1000xf32, #tpu.memory_space<vmem>>, vector<16xf32>,
    %get3A_637 = vector.shape_cast %get3A_636 : vector<16xf32> to vector<16xf32>
    %gt3A_638 = arith.cmpf ogt, %get3A_637, %scan3A_119#14 : vector<16xf32>
    %select_n3A_639 = arith.select %gt3A_638, %get3A_637, %scan3A_119#14 : vector<16xi1>, vector<16xf32>
    %select_n3A_640 = arith.select %gt3A_638, %add3A_125, %scan3A_119#15 : vector<16xi1>, vector<16xi32>
    %xor3A_641 = arith.constant 8 : i32
    %xor3A_642 = vector.broadcast %xor3A_641 : i32 to vector<16xi32>
    %xor3A_643 = arith.xori %iota3A, %xor3A_642 : vector<16xi32>
    %broadcast_in_dim3A_644 = vector.shape_cast %xor3A_643 : vector<16xi32> to vector<16x1xi32>
    %gather3A_645 = vector.shape_cast %broadcast_in_dim3A_644 : vector<16x1xi32> to vector<16xi32>
    %gather3A_646 = tpu.dynamic_gather %select_n3A_639[%gather3A_645] in [0] : vector<16xf32>, vector<16xi32> -> vector<16xf32>
    %broadcast_in_dim3A_647 = vector.shape_cast %xor3A_643 : vector<16xi32> to vector<16x1xi32>
    %gather3A_648 = vector.shape_cast %broadcast_in_dim3A_647 : vector<16x1xi32> to vector<16xi32>
    %gather3A_649 = tpu.dynamic_gather %select_n3A_640[%gather3A_648] in [0] : vector<16xi32>, vector<16xi32> -> vector<16xi32>
    %gt3A_650 = arith.cmpf ogt, %gather3A_646, %select_n3A_639 : vector<16xf32>
    %eq3A_651 = arith.cmpf oeq, %gather3A_646, %select_n3A_639 : vector<16xf32>
    %lt3A_652 = arith.cmpi slt, %gather3A_649, %select_n3A_640 : vector<16xi32>
    %and3A_653 = arith.andi %eq3A_651, %lt3A_652 : vector<16xi1>
    %or3A_654 = arith.ori %gt3A_650, %and3A_653 : vector<16xi1>
    %select_n3A_655 = arith.select %or3A_654, %gather3A_646, %select_n3A_639 : vector<16xi1>, vector<16xf32>
    %select_n3A_656 = arith.select %or3A_654, %gather3A_649, %select_n3A_640 : vector<16xi1>, vector<16xi32>
    %xor3A_657 = arith.constant 4 : i32
    %xor3A_658 = vector.broadcast %xor3A_657 : i32 to vector<16xi32>
    %xor3A_659 = arith.xori %iota3A, %xor3A_658 : vector<16xi32>
    %broadcast_in_dim3A_660 = vector.shape_cast %xor3A_659 : vector<16xi32> to vector<16x1xi32>
    %gather3A_661 = vector.shape_cast %broadcast_in_dim3A_660 : vector<16x1xi32> to vector<16xi32>
    %gather3A_662 = tpu.dynamic_gather %select_n3A_655[%gather3A_661] in [0] : vector<16xf32>, vector<16xi32> -> vector<16xf32>
    %broadcast_in_dim3A_663 = vector.shape_cast %xor3A_659 : vector<16xi32> to vector<16x1xi32>
    %gather3A_664 = vector.shape_cast %broadcast_in_dim3A_663 : vector<16x1xi32> to vector<16xi32>
    %gather3A_665 = tpu.dynamic_gather %select_n3A_656[%gather3A_664] in [0] : vector<16xi32>, vector<16xi32> -> vector<16xi32>
    %gt3A_666 = arith.cmpf ogt, %gather3A_662, %select_n3A_655 : vector<16xf32>
    %eq3A_667 = arith.cmpf oeq, %gather3A_662, %select_n3A_655 : vector<16xf32>
    %lt3A_668 = arith.cmpi slt, %gather3A_665, %select_n3A_656 : vector<16xi32>
    %and3A_669 = arith.andi %eq3A_667, %lt3A_668 : vector<16xi1>
    %or3A_670 = arith.ori %gt3A_666, %and3A_669 : vector<16xi1>
    %select_n3A_671 = arith.select %or3A_670, %gather3A_662, %select_n3A_655 : vector<16xi1>, vector<16xf32>
    %select_n3A_672 = arith.select %or3A_670, %gather3A_665, %select_n3A_656 : vector<16xi1>, vector<16xi32>
    %xor3A_673 = arith.constant 2 : i32
    %xor3A_674 = vector.broadcast %xor3A_673 : i32 to vector<16xi32>
    %xor3A_675 = arith.xori %iota3A, %xor3A_674 : vector<16xi32>
    %broadcast_in_dim3A_676 = vector.shape_cast %xor3A_675 : vector<16xi32> to vector<16x1xi32>
    %gather3A_677 = vector.shape_cast %broadcast_in_dim3A_676 : vector<16x1xi32> to vector<16xi32>
    %gather3A_678 = tpu.dynamic_gather %select_n3A_671[%gather3A_677] in [0] : vector<16xf32>, vector<16xi32> -> vector<16xf32>
    %broadcast_in_dim3A_679 = vector.shape_cast %xor3A_675 : vector<16xi32> to vector<16x1xi32>
    %gather3A_680 = vector.shape_cast %broadcast_in_dim3A_679 : vector<16x1xi32> to vector<16xi32>
    %gather3A_681 = tpu.dynamic_gather %select_n3A_672[%gather3A_680] in [0] : vector<16xi32>, vector<16xi32> -> vector<16xi32>
    %gt3A_682 = arith.cmpf ogt, %gather3A_678, %select_n3A_671 : vector<16xf32>
    %eq3A_683 = arith.cmpf oeq, %gather3A_678, %select_n3A_671 : vector<16xf32>
    %lt3A_684 = arith.cmpi slt, %gather3A_681, %select_n3A_672 : vector<16xi32>
    %and3A_685 = arith.andi %eq3A_683, %lt3A_684 : vector<16xi1>
    %or3A_686 = arith.ori %gt3A_682, %and3A_685 : vector<16xi1>
    %select_n3A_687 = arith.select %or3A_686, %gather3A_678, %select_n3A_671 : vector<16xi1>, vector<16xf32>
    %select_n3A_688 = arith.select %or3A_686, %gather3A_681, %select_n3A_672 : vector<16xi1>, vector<16xi32>
    %xor3A_689 = arith.constant 1 : i32
    %xor3A_690 = vector.broadcast %xor3A_689 : i32 to vector<16xi32>
    %xor3A_691 = arith.xori %iota3A, %xor3A_690 : vector<16xi32>
    %broadcast_in_dim3A_692 = vector.shape_cast %xor3A_691 : vector<16xi32> to vector<16x1xi32>
    %gather3A_693 = vector.shape_cast %broadcast_in_dim3A_692 : vector<16x1xi32> to vector<16xi32>
    %gather3A_694 = tpu.dynamic_gather %select_n3A_687[%gather3A_693] in [0] : vector<16xf32>, vector<16xi32> -> vector<16xf32>
    %broadcast_in_dim3A_695 = vector.shape_cast %xor3A_691 : vector<16xi32> to vector<16x1xi32>
    %gather3A_696 = vector.shape_cast %broadcast_in_dim3A_695 : vector<16x1xi32> to vector<16xi32>
    %gather3A_697 = tpu.dynamic_gather %select_n3A_688[%gather3A_696] in [0] : vector<16xi32>, vector<16xi32> -> vector<16xi32>
    %gt3A_698 = arith.cmpf ogt, %gather3A_694, %select_n3A_687 : vector<16xf32>
    %eq3A_699 = arith.cmpf oeq, %gather3A_694, %select_n3A_687 : vector<16xf32>
    %lt3A_700 = arith.cmpi slt, %gather3A_697, %select_n3A_688 : vector<16xi32>
    %and3A_701 = arith.andi %eq3A_699, %lt3A_700 : vector<16xi1>
    %or3A_702 = arith.ori %gt3A_698, %and3A_701 : vector<16xi1>
    %select_n3A_703 = arith.select %or3A_702, %gather3A_694, %select_n3A_687 : vector<16xi1>, vector<16xf32>
    %select_n3A_704 = arith.select %or3A_702, %gather3A_697, %select_n3A_688 : vector<16xi1>, vector<16xi32>
    %eq3A_705 = arith.constant 7 : i32
    %eq3A_706 = vector.broadcast %eq3A_705 : i32 to vector<16xi32>
    %eq3A_707 = arith.cmpi eq, %iota3A, %eq3A_706 : vector<16xi32>
    %select_n3A_708 = arith.select %eq3A_707, %select_n3A_704, %select_n3A_634 : vector<16xi1>, vector<16xi32>
    %swap3A = arith.constant 0 : index
    %swap3A_709 = tpu.vector_load %arg12[%swap3A] {strides = array<i32>} : memref<16xi32, #tpu.memory_space<vmem>>, vector<16xi32>,
    %swap3A_710 = vector.shape_cast %swap3A_709 : vector<16xi32> to vector<16xi32>
    %swap3A_711 = vector.shape_cast %select_n3A_708 : vector<16xi32> to vector<16xi32>
    tpu.vector_store %arg12[%swap3A], %swap3A_711 {strides = array<i32>} : memref<16xi32, #tpu.memory_space<vmem>>, vector<16xi32>,
    "tpu.region"() ({
      %run_scoped3A = tpu.sem_alloc : memref<!tpu.dma_semaphore, #tpu.memory_space<semaphore_mem>>
      %dma_start3A_712 = arith.constant 0 : i32
      %dma_start3A_713 = tpu.memref_slice %arg12[%dma_start3A_712] : memref<16xi32, #tpu.memory_space<vmem>> -> memref<8xi32, #tpu.memory_space<vmem>>
      %dma_start3A_714 = tpu.memref_slice %arg3[%mul3A_2] : memref<256xi32, #tpu.memory_space<hbm>> -> memref<8xi32, #tpu.memory_space<hbm>>
      %dma_start3A_715 = tpu.memref_slice %arg3[%mul3A_2] : memref<256xi32, #tpu.memory_space<hbm>> -> memref<8xi32, #tpu.memory_space<hbm>>
      %dma_start3A_716 = arith.constant 0 : i32
      %dma_start3A_717 = tpu.memref_slice %arg12[%dma_start3A_716] : memref<16xi32, #tpu.memory_space<vmem>> -> memref<8xi32, #tpu.memory_space<vmem>>
      tpu.enqueue_dma source(%dma_start3A_717 : memref<8xi32, #tpu.memory_space<vmem>>) target(%dma_start3A_715 : memref<8xi32, #tpu.memory_space<hbm>>) target_semaphore(%run_scoped3A : memref<!tpu.dma_semaphore, #tpu.memory_space<semaphore_mem>>)
      %dma_wait3A_718 = arith.constant 0 : i32
      %dma_wait3A_719 = tpu.memref_slice %arg12[%dma_wait3A_718] : memref<16xi32, #tpu.memory_space<vmem>> -> memref<8xi32, #tpu.memory_space<vmem>>
      %dma_wait3A_720 = tpu.memref_slice %arg3[%mul3A_2] : memref<256xi32, #tpu.memory_space<hbm>> -> memref<8xi32, #tpu.memory_space<hbm>>
      %dma_wait3A_721 = tpu.memref_slice %arg3[%mul3A_2] : memref<256xi32, #tpu.memory_space<hbm>> -> memref<8xi32, #tpu.memory_space<hbm>>
      %dma_wait3A_722 = arith.constant 0 : i32
      %dma_wait3A_723 = tpu.memref_slice %arg12[%dma_wait3A_722] : memref<16xi32, #tpu.memory_space<vmem>> -> memref<8xi32, #tpu.memory_space<vmem>>
      tpu.wait_dma2 semaphore(%run_scoped3A : memref<!tpu.dma_semaphore, #tpu.memory_space<semaphore_mem>>) src(%dma_wait3A_723 : memref<8xi32, #tpu.memory_space<vmem>>) dst(%dma_wait3A_721 : memref<8xi32, #tpu.memory_space<hbm>>)
      tpu.yield
    }) : () -> ()
    return
  }
}

module attributes {stable_mosaic.version = 14 : i64} {
  func.func @_tc_body(%arg0: memref<256x1000xf32, #tpu.memory_space<vmem>>, %arg1: memref<1000x512xf32, #tpu.memory_space<vmem>>, %arg2: memref<1x256xi32, #tpu.memory_space<vmem>>, %arg3: memref<1x1xf32, #tpu.memory_space<smem>>, %arg4: memref<1x1xf32, #tpu.memory_space<smem>>) attributes {dimension_semantics = [], scalar_prefetch = 0 : i64, scratch_operands = 0 : i64, tpu.core_type = #tpu.core_type<tc>} {
    %get3A = arith.constant 0 : index
    %get3A_0 = arith.constant 0 : index
    %get3A_1 = vector.load %arg1[%get3A, %get3A_0] : memref<1000x512xf32, #tpu.memory_space<vmem>>, vector<1000x512xf32>
    %get3A_2 = arith.constant 0 : index
    %get3A_3 = arith.constant 0 : index
    %get3A_4 = vector.load %arg0[%get3A_2, %get3A_3] : memref<256x1000xf32, #tpu.memory_space<vmem>>, vector<256x1000xf32>
    %get3A_5 = arith.constant 0 : index
    %get3A_6 = arith.constant 0 : index
    %get3A_7 = vector.load %arg2[%get3A_5, %get3A_6] : memref<1x256xi32, #tpu.memory_space<vmem>>, vector<1x256xi32>
    %transpose3A = tpu.transpose %get3A_7, [1, 0] : vector<1x256xi32> -> vector<256x1xi32>
    %get3A_8 = arith.constant 0 : index
    %get3A_9 = arith.constant 0 : index
    %get3A_10 = memref.load %arg3[%get3A_8, %get3A_9] : memref<1x1xf32, #tpu.memory_space<smem>>
    %iota3A = tpu.iota {dimensions = array<i32: 1>} : vector<256x1000xi32>
    %eq3A = vector.broadcast %transpose3A : vector<256x1xi32> to vector<256x1000xi32>
    %eq3A_11 = arith.cmpi eq, %iota3A, %eq3A : vector<256x1000xi32>
    %jit3A = arith.constant 1.000000e+00 : f32
    %jit3A_12 = arith.constant 0.000000e+00 : f32
    %broadcast_in_dim3A = vector.broadcast %jit3A : f32 to vector<256x1000xf32>
    %broadcast_in_dim3A_13 = vector.broadcast %jit3A_12 : f32 to vector<256x1000xf32>
    %select_n3A = arith.select %eq3A_11, %broadcast_in_dim3A, %broadcast_in_dim3A_13 : vector<256x1000xi1>, vector<256x1000xf32>
    %dot_general3A = arith.constant dense<0.000000e+00> : vector<256x512xf32>
    %dot_general3A_14 = tpu.matmul %select_n3A, %get3A_1, %dot_general3A {dimension_numbers = #tpu.dot_dimension_numbers<[1], [0], [0], [1], [0, 0, 1, 1], [], []>, transpose_lhs_hint = false} : vector<256x1000xf32>, vector<1000x512xf32>, vector<256x512xf32> -> vector<256x512xf32>
    %mul3A = arith.mulf %get3A_1, %get3A_1 : vector<1000x512xf32>
    %reduce_sum3A = arith.constant dense<0.000000e+00> : vector<1000xf32>
    %reduce_sum3A_15 = vector.multi_reduction <add>, %mul3A, %reduce_sum3A [1] : vector<1000x512xf32> to vector<1000xf32>
    %rsqrt3A = math.rsqrt %reduce_sum3A_15 : vector<1000xf32>
    %mul3A_16 = arith.mulf %dot_general3A_14, %dot_general3A_14 : vector<256x512xf32>
    %reduce_sum3A_17 = arith.constant dense<0.000000e+00> : vector<256xf32>
    %reduce_sum3A_18 = vector.multi_reduction <add>, %mul3A_16, %reduce_sum3A_17 [1] : vector<256x512xf32> to vector<256xf32>
    %broadcast_in_dim3A_19 = vector.shape_cast %reduce_sum3A_18 : vector<256xf32> to vector<256x1xf32>
    %rsqrt3A_20 = math.rsqrt %broadcast_in_dim3A_19 : vector<256x1xf32>
    %dot_general3A_21 = arith.constant dense<0.000000e+00> : vector<256x1000xf32>
    %dot_general3A_22 = tpu.matmul %dot_general3A_14, %get3A_1, %dot_general3A_21 {dimension_numbers = #tpu.dot_dimension_numbers<[1], [1], [0], [0], [0, 0, 1, 0], [], []>, transpose_lhs_hint = false} : vector<256x512xf32>, vector<1000x512xf32>, vector<256x1000xf32> -> vector<256x1000xf32>
    %broadcast_in_dim3A_23 = vector.shape_cast %rsqrt3A : vector<1000xf32> to vector<1x1000xf32>
    %mul3A_24 = vector.broadcast %broadcast_in_dim3A_23 : vector<1x1000xf32> to vector<256x1000xf32>
    %mul3A_25 = arith.mulf %dot_general3A_22, %mul3A_24 : vector<256x1000xf32>
    %mul3A_26 = vector.broadcast %rsqrt3A_20 : vector<256x1xf32> to vector<256x1000xf32>
    %mul3A_27 = arith.mulf %mul3A_25, %mul3A_26 : vector<256x1000xf32>
    %mul3A_28 = arith.constant 2.000000e+00 : f32
    %mul3A_29 = vector.broadcast %mul3A_28 : f32 to vector<256x1000xf32>
    %mul3A_30 = arith.mulf %mul3A_29, %mul3A_27 : vector<256x1000xf32>
    %sub3A = arith.constant 2.000000e+00 : f32
    %sub3A_31 = vector.broadcast %sub3A : f32 to vector<256x1000xf32>
    %sub3A_32 = arith.subf %sub3A_31, %mul3A_30 : vector<256x1000xf32>
    %max3A = arith.constant 0.000000e+00 : f32
    %max3A_33 = vector.broadcast %max3A : f32 to vector<256x1000xf32>
    %max3A_34 = arith.maximumf %sub3A_32, %max3A_33 : vector<256x1000xf32>
    %sqrt3A = math.sqrt %max3A_34 : vector<256x1000xf32>
    %mul3A_35 = vector.broadcast %get3A_10 : f32 to vector<256x1000xf32>
    %mul3A_36 = arith.mulf %mul3A_35, %sqrt3A : vector<256x1000xf32>
    %reduce_max3A = arith.constant dense<0xFF800000> : vector<256xf32>
    %reduce_max3A_37 = vector.multi_reduction <maximumf>, %get3A_4, %reduce_max3A [1] : vector<256x1000xf32> to vector<256xf32>
    %broadcast_in_dim3A_38 = vector.shape_cast %reduce_max3A_37 : vector<256xf32> to vector<256x1xf32>
    %sub3A_39 = vector.broadcast %broadcast_in_dim3A_38 : vector<256x1xf32> to vector<256x1000xf32>
    %sub3A_40 = arith.subf %sub3A_39, %get3A_4 : vector<256x1000xf32>
    %eq3A_41 = vector.broadcast %transpose3A : vector<256x1xi32> to vector<256x1000xi32>
    %eq3A_42 = arith.cmpi eq, %iota3A, %eq3A_41 : vector<256x1000xi32>
    %div3A = arith.divf %sub3A_40, %mul3A_36 : vector<256x1000xf32>
    %jit3A_43 = arith.constant 0x7F800000 : f32
    %broadcast_in_dim3A_44 = vector.broadcast %jit3A_43 : f32 to vector<256x1000xf32>
    %select_n3A_45 = arith.select %eq3A_42, %broadcast_in_dim3A_44, %div3A : vector<256x1000xi1>, vector<256x1000xf32>
    %reduce_min3A = arith.constant dense<0x7F800000> : vector<256xf32>
    %reduce_min3A_46 = vector.multi_reduction <minimumf>, %select_n3A_45, %reduce_min3A [1] : vector<256x1000xf32> to vector<256xf32>
    %reduce_sum3A_47 = vector.shape_cast %reduce_min3A_46 : vector<256xf32> to vector<1x256xf32>
    %reduce_sum3A_48 = arith.constant dense<0.000000e+00> : vector<1xf32>
    %reduce_sum3A_49 = vector.multi_reduction <add>, %reduce_sum3A_47, %reduce_sum3A_48 [1] : vector<1x256xf32> to vector<1xf32>
    %reduce_sum3A_50 = vector.shape_cast %reduce_sum3A_49 : vector<1xf32> to vector<1x1xf32>
    %reduce_sum3A_51 = vector.extract %reduce_sum3A_50[0, 0] : f32 from vector<1x1xf32>
    %mul3A_52 = arith.constant 3.906250e-03 : f32
    %mul3A_53 = arith.mulf %reduce_sum3A_51, %mul3A_52 : f32
    %swap3A = arith.constant 0 : index
    %swap3A_54 = arith.constant 0 : index
    %swap3A_55 = memref.load %arg4[%swap3A, %swap3A_54] : memref<1x1xf32, #tpu.memory_space<smem>>
    memref.store %mul3A_53, %arg4[%swap3A, %swap3A_54] : memref<1x1xf32, #tpu.memory_space<smem>>
    return
  }
}

</mosaic_0001>

<sc_bundles>
// kernel: kernel.4.cloned.1.call-start
scs
__scs_entry_jumppad:
0x0: {  	(pc) =	sbr.rel $0x88, $3  }
0x1: {  	(tag) =	ssettag $0x0;
	lr =	simm.s32 $0x1  }
0x2: {  	[smem:$0x3F9D] =	sst lr;
	_ =	strace $0xD0000000  }
0x3: {  	_ = 	snop  }
0x4: {  	_ = 	snop  }
0x5: {  	_ = 	snop  }
0x6: {  	_ = 	snop  }
0x7: {  	_ = 	snop  }
__scs_overlays_trampoline_lowered:
0x8: {  	[smem:$0x3FAC] =	sst s0  }
0x9: {  	[smem:$0x3FAD] =	sst s1  }
0xa: {  	[smem:$0x3FAE] =	sst s2  }
0xb: {  	[smem:$0x3FAF] =	sst s3  }
0xc: {  	[smem:$0x3FB0] =	sst s4  }
0xd: {  	[smem:$0x3FB1] =	sst s5  }
0xe: {  	[smem:$0x3FB2] =	sst s6  }
0xf: {  	[smem:$0x3FB3] =	sst s7  }
0x10: {  	[smem:$0x3FB4] =	sst s8  }
0x11: {  	[smem:$0x3FB5] =	sst s9;
	s0 =	simm.s32 @!p0 $0x0  }
0x12: {  	s1 =	sld [smem:$0x3F9B];
	s0 =	simm.s32 @p0 $0x1  }
0x13: {  	[smem:$0x3FB6] =	sst s0;
	s0 =	simm.s32 @!p1 $0x0  }
0x14: {  	s2 =	sld [smem:$0x3F9A];
	s0 =	simm.s32 @p1 $0x1  }
0x15: {  	[smem:$0x3FB7] =	sst s0;
	s0 =	simm.s32 @!p2 $0x0  }
0x16: {  	s3 =	sld [smem:$0x3FDB];
	s0 =	simm.s32 @p2 $0x1  }
0x17: {  	s4 =	simm.s32 $0x1BF5;
	[smem:$0x3FB9] =	sst s0  }
0x18: {  	s0 =	sld [smem:$0x3F9C];
	_ =	swait.ge [sflag:s4], $0x0  }
0x19: {  	s7 =	sld [smem:$0x3F9D]  }
0x1a: {  	s8 =	sadd.s32 $0xFFFFE003, lr  }
0x1b: {  	s9 =	sadd.s32 $0xFFFFFEF7, lr;
	s5 =	simm.s32 $0xFFFFFFFF;
	p2 =	slt.u32 s8, $0xFFFFF086  }
0x1c: {  	p1 =	slt.u32 s9, $0xF7A;
	s5 =	simm.s32 @!p2 $0x0  }
0x1d: {  	s5 =	simm.s32 @p1 $0x1;
	p0 =	seq.s32 s7, s2  }
0x1e: {  	s7 =	smul.u32 @!p0 $0xF7A, s2;
	p2 =	seq.s32 @!p0 s5, $0x0  }
0x1f: {  	s9 =	smul.u32 $0xF7A, s1;
	s8 =	simm.s32 @!p0 $0x1BF5;
	p2 =	por !p2, p0  }
0x20: {  	[sflag:s8] =	ssyncset.s32 @!p0 $0xFFFFF086;
	s6 =	sadd.s32 @!p0 s3, s7;
	s7 =	simm.s32 @!p0 $0x108  }
0x21: {  	s3 =	sadd.s32 s3, s9;
	s6 =	sadd.s32 @!p0 $0x88, s6;
	s7 =	simm.s32 @p2 $0x1082  }
0x22: {  	[simem:s7], [sflag:s8] =	dma.local @!p0 [hbm:s6], $0xF7A  }
0x23: {  	s9 =	sor.u32 $0xD0000000, s2;
	s6 =	simm.s32 $0x108;
	_ =	swait.ge @!p0 [sflag:s8], $0x0  }
0x24: {  	s3 =	sadd.s32 $0x88, s3;
	s6 =	simm.s32 @!p1 $0x1082;
	[sflag:s4] =	ssyncset.s32 $0xFFFFF086  }
0x25: {  	[simem:s6], [sflag:s4] =	dma.local [hbm:s3], $0xF7A  }
0x26: {  	[smem:$0x3F9D] =	sst s1;
	(tag) =	ssettag s2;
	_ =	strace s9  }
0x27: {  	s1 =	sld [smem:$0x3FAD]  }
0x28: {  	s2 =	sld [smem:$0x3FAE]  }
0x29: {  	s4 =	sld [smem:$0x3FB0]  }
0x2a: {  	p0 =	seq.s32 s5, $0x0;
	s5 =	sld [smem:$0x3FB1]  }
0x2b: {  	s6 =	sld [smem:$0x3FB2]  }
0x2c: {  	s7 =	sld [smem:$0x3FB3]  }
0x2d: {  	s3 =	simm.s32 $0x108;
	s8 =	sld [smem:$0x3FB4]  }
0x2e: {  	s3 =	simm.s32 @!p0 $0x1082;
	s9 =	sld [smem:$0x3FB5]  }
0x2f: {  	lr =	sadd.s32 s0, s3;
	s0 =	sld [smem:$0x3FAC]  }
0x30: {  	s3 =	sld [smem:$0x3FAF]  }
0x31: {  	[smem:$0x3FB8] =	sst s10  }
0x32: {  	s10 =	sld [smem:$0x3FB6];
	_ =	sdelay $0x3  }
0x33: {  	p0 =	seq.s32 s10, $0x1;
	s10 =	sld [smem:$0x3FB8];
	_ =	sdelay $0x3  }
0x34: {  	[smem:$0x3FB8] =	sst s10  }
0x35: {  	s10 =	sld [smem:$0x3FB7];
	_ =	sdelay $0x3  }
0x36: {  	p1 =	seq.s32 s10, $0x1;
	s10 =	sld [smem:$0x3FB8];
	_ =	sdelay $0x3  }
0x37: {  	[smem:$0x3FB8] =	sst s10  }
0x38: {  	s10 =	sld [smem:$0x3FB9]  }
0x39: {  	_ = 	snop;
	(pc) =	sbr.ind lr, $3  }
0x3a: {  	_ = 	snop  }
0x3b: {  	_ = 	snop  }
0x3c: {  	p2 =	seq.s32 s10, $0x1;
	s10 =	sld [smem:$0x3FB8]  }
0x3d: {  	_ =	shalt  }
0x3e: {  	_ =	shalt  }
0x3f: {  	_ =	shalt  }
0x40: {  	_ =	shalt  }
0x41: {  	_ =	shalt  }
0x42: {  	_ =	shalt  }
0x43: {  	_ =	shalt  }
0x44: {  	_ =	shalt  }
0x45: {  	_ =	shalt  }
0x46: {  	_ =	shalt  }
0x47: {  	_ =	shalt  }
0x48: {  	_ =	shalt  }
0x49: {  	_ =	shalt  }
0x4a: {  	_ =	shalt  }
0x4b: {  	_ =	shalt  }
0x4c: {  	_ =	shalt  }
0x4d: {  	_ =	shalt  }
0x4e: {  	_ =	shalt  }
0x4f: {  	_ =	shalt  }
0x50: {  	_ =	shalt  }
0x51: {  	_ =	shalt  }
0x52: {  	_ =	shalt  }
0x53: {  	_ =	shalt  }
0x54: {  	_ =	shalt  }
0x55: {  	_ =	shalt  }
0x56: {  	_ =	shalt  }
0x57: {  	_ =	shalt  }
0x58: {  	_ =	shalt  }
0x59: {  	_ =	shalt  }
0x5a: {  	_ =	shalt  }
0x5b: {  	_ =	shalt  }
0x5c: {  	_ =	shalt  }
0x5d: {  	_ =	shalt  }
0x5e: {  	_ =	shalt  }
0x5f: {  	_ =	shalt  }
0x60: {  	_ =	shalt  }
0x61: {  	_ =	shalt  }
0x62: {  	_ =	shalt  }
0x63: {  	_ =	shalt  }
0x64: {  	_ =	shalt  }
0x65: {  	_ =	shalt  }
0x66: {  	_ =	shalt  }
0x67: {  	_ =	shalt  }
0x68: {  	_ =	shalt  }
0x69: {  	_ =	shalt  }
0x6a: {  	_ =	shalt  }
0x6b: {  	_ =	shalt  }
0x6c: {  	_ =	shalt  }
0x6d: {  	_ =	shalt  }
0x6e: {  	_ =	shalt  }
0x6f: {  	_ =	shalt  }
0x70: {  	_ =	shalt  }
0x71: {  	_ =	shalt  }
0x72: {  	_ =	shalt  }
0x73: {  	_ =	shalt  }
0x74: {  	_ =	shalt  }
0x75: {  	_ =	shalt  }
0x76: {  	_ =	shalt  }
0x77: {  	_ =	shalt  }
0x78: {  	_ =	shalt  }
0x79: {  	_ =	shalt  }
0x7a: {  	_ =	shalt  }
0x7b: {  	_ =	shalt  }
0x7c: {  	_ =	shalt  }
0x7d: {  	_ =	shalt  }
0x7e: {  	_ =	shalt  }
0x7f: {  	_ =	shalt  }
0x80: {  	_ =	shalt  }
0x81: {  	_ =	shalt  }
0x82: {  	_ =	shalt  }
0x83: {  	_ =	shalt  }
0x84: {  	_ =	shalt  }
0x85: {  	_ =	shalt  }
0x86: {  	_ =	shalt  }
0x87: {  	_ =	shalt  }
.Lfunc_end0:
.L_simem_size_0:
called_computation_lowered:
.L_overlay_start_0:
0x88: {  	s2 =	sld [smem:$0x3FD9]  }
0x89: {  	s3 =	sld [smem:$0x3FFE];
	_ =	sdelay $0x1  }
0x8a: {  	s1 =	srdreg.scid  }
0x8b: {  	s0 =	sand.u32 $0x1, s1  }
0x8c: {  	s16 =	sshll.u32 s0, $0xA;
	s2 =	sadd.s32 s3, s2  }
0x8d: {  	s2 =	sadd.s32 s2, s16  }
0x8e: {  	[smem:$0x3FC4] =	sst s2  }
0x8f: {  	_ = 	snop  }
0x90: {  	(tm) =	ssettm $0x1  }
0x91: {  	s17 =	sld [smem:$0x3FFB];
	_ =	sdelay $0x3  }
0x92: {  	_ =	strace s17  }
0x93: {  	s2 =	sld [smem:$0x3FFC];
	_ =	sdelay $0x3  }
0x94: {  	_ =	strace s2  }
0x95: {  	s2 =	sld [smem:$0x3FFD];
	_ =	sdelay $0x3  }
0x96: {  	_ =	strace s2  }
0x97: {  	_ =	strace $0x8FFFFFFF  }
0x98: {  	s18 =	sld [smem:$0x3FDB];
	_ =	sdelay $0x1  }
0x99: {  	s19 =	simm.s32 $_scs_section_size  }
0x9a: {  	s4 =	simm.s32 $_size__tile_overlayer_lowered;
	s5 =	simm.s32 $_tile_overlayer_lowered  }
0x9b: {  	s22 =	simm.s32 $0x1BFF;
	s21 =	sshll.u32 s5, $0x1;
	s2 =	sadd.s32 s19, s18  }
0x9c: {  	s6 =	simm.s32 $0x0;
	s20 =	sshll.u32 s4, $0x1;
	s4 =	sadd.s32 s21, s2  }
0x9d: {  	[timem:s6], [sflag:s22] =	dma.local [hbm:s4], s20  }
0x9e: {  	_ =	swait.ge [sflag:s22], s20  }
0x9f: {  	s3 =	ssub.s32 $0x0, s20;
	[sflag:s22] =	ssyncset.done $0x0  }
0xa0: {  	[sflag:s22] =	ssyncadd.s32 s3;
	_ =	sdelay $0x1  }
0xa1: {  	s23 =	simm.s32 $0x1B8B  }
0xa2: {  	_ =	swait.ge [sflag:s23], $0x1  }
0xa3: {  	[sflag:s23] =	ssyncset.done $0x0  }
0xa4: {  	s25 =	simm.s32 $0x1B8E;
	s24 =	sld [smem:$0x3FFE];
	[sflag:s23] =	ssyncadd.s32 $0xFFFFFFFF  }
0xa5: {  	s26 =	simm.s32 $execute0_lowered;
	[smem:$0x3FD2] =	sst s25  }
0xa6: {  	s4 =	sshll.u32 s26, $0x1;
	_ =	strace $0x80000046;
	[dreg:$0x1] =	wrdreg $0xFFFFFFFF  }
0xa7: {  	s28 =	simm.s32 $_size_execute0_lowered;
	s2 =	sadd.s32 s2, s4;
	[dreg:$0x0] =	wrdreg $0x0  }
0xa8: {  	s4 =	sshll.u32 s28, $0x1;
	[dreg:$0x2] =	wrdreg s2  }
0xa9: {  	[dreg:$0x3] =	wrdreg s4  }
0xaa: {  	[dreg:$0x4] =	wrdreg $0xC0  }
0xab: {  	_ =	task [dreg:s6], $0x5FFFF  }
0xac: {  	[dreg:$0x1] =	wrdreg $0xFFFFFFFF  }
0xad: {  	[dreg:$0x0] =	wrdreg $0x60  }
0xae: {  	[dreg:$0x2] =	wrdreg s24  }
0xaf: {  	[dreg:$0x3] =	wrdreg $0x9  }
0xb0: {  	_ =	task.clear_ibuf [dreg:s6], $0x4FFFF;
	_ =	strace $0x90000046  }
0xb1: {  	s29 =	simm.s32 $0x9;
	_ =	strace $0x80000048  }
0xb2: {  	_ =	swait.ge [sflag:s29], $0x1  }
0xb3: {  	[sflag:s29] =	ssyncadd.s32 $0xFFFFFFFF  }
0xb4: {  	_ =	strace $0x90000048  }
0xb5: {  	_ =	sfence  }
0xb6: {  	s30 =	sld [smem:$0x0];
	_ =	sdelay $0x2  }
0xb7: {  	s31 =	sshll.u32 s1, $0xD;
	s1 =	sshrl.u32 s1, $0x2  }
0xb8: {  	s3 =	sand.u32 $0x4000, s31;
	s1 =	sadd.s32 s1, s30  }
0xb9: {  	s0 =	sor.u32 s3, s0;
	s1 =	sshll.u32 s1, $0x11  }
0xba: {  	s0 =	sor.u32 s1, s0  }
0xbb: {  	s0 =	sadd.s32 $0x8F2B, s0  }
0xbc: {  	[sflag:s0] =	ssyncadd.remote.s32 $0x1  }
0xbd: {  	_ =	sfence.sel $0xFFFF  }
0xbe: {  	[dreg:$0x0] =	wrdreg $0xFFFFFFFF;
	(pc) =	sbr.abs _section_cstart, $3  }
0xbf: {  	[dreg:$0x1] =	wrdreg $0xFFFFFFFF  }
0xc0: {  	_ =	task.clear_ibuf [dreg:s6], $0x2FFFF;
	_ =	strace $0x9FFFFFFF  }
0xc1: {  	(tm) =	ssettm $0x7FFFFFFF  }
tec
execute0_lowered:
.L_overlay_start_1:
0x0: {  	(tag) =	ssettag $0x1  }
0x1: {  	v0 =	vimm.s32 $0xBA98FEDC;
	v1 =	vimm.s32 $0x32107654  }
0x2: {  	s0 =	rddreg [dreg:$0x0];
	v0 =	vunpack.c.l.s4.s8 v0;
	v1 =	vunpack.c.l.s4.s8 v1  }
0x3: {  	s1 =	srdreg.scid;
	s3 =	stileid.u32;
	v2 =	vimm.s32 $0x76543210;
	v3 =	vimm.s32 $0xFEDCBA98  }
0x4: {  	s2 =	simm.s32 $0x0;
	v4 =	vimm.s32 $0xDCFE98BA;
	s13 =	simm.s32 $0x80;
	s14 =	simm.s32 $0x400;
	v0 =	vunpack.c.0.s8.s32 v0;
	v1 =	vunpack.c.0.s8.s32 v1  }
0x5: {  	v6 =	vimm.s32 $0x67452301;
	s18 =	simm.s32 $0x1400;
	s19 =	simm.s32 $0x1800;
	s20 =	simm.s32 $0x1C00  }
0x6: {  	s21 =	simm.s32 $0x1;
	s22 =	simm.s32 $0x2000;
	s23 =	simm.s32 $0x2;
	v3 =	vunpack.c.l.s4.s8 v3;
	v6 =	vunpack.c.l.s4.s8 v6;
	v5 =	vcombine.low v1, v0  }
0x7: {  	s24 =	simm.s32 $0x0;
	s1 =	sand.u32 $0x1, s1;
	s3 =	sshll.u32 s3, $0x4;
	v0 =	vunpack.c.l.s4.s8 v4;
	v1 =	vimm.s32 $0x54761032;
	v4 =	vimm.s32 $0xEFCDAB89  }
0x8: {  	vm0 =	vmmov $0x1;
	[smem:$0x7FF] =	sst s2;
	s4 =	sshll.u32 s1, $0x3;
	s1 =	ssub.s32 $0x2, s1;
	v1 =	vunpack.c.l.s4.s8 v1;
	v4 =	vunpack.c.l.s4.s8 v4  }
0x9: {  	v2 =	vunpack.c.l.s4.s8 v2;
	_ =	strace $0x80000047;
	s3 =	sor.u32 s4, s3;
	s31 =	sshrl.u32 s1, $0x1;
	v3 =	vunpack.c.0.s8.s32 v3;
	v6 =	vunpack.c.0.s8.s32 v6  }
0xa: {  	s4 =	sshll.u32 s3, $0x7;
	s3 =	sshrl.u32 s3, $0x3;
	s1 =	ssub.s32 s1, s31;
	v0 =	vunpack.c.0.s8.s32 v0;
	v1 =	vunpack.c.0.s8.s32 v1;
	v4 =	vunpack.c.0.s8.s32 v4  }
0xb: {  	vm6 =	vcmask $0x1720;
	vm7 =	vcmask $0x1B20;
	v2 =	vunpack.c.0.s8.s32 v2;
	s10 =	sadd.s32 s4, s0;
	s0 =	sadd.s32 s3, s0;
	s12 =	smax.u32 s1, $0x1  }
0xc: {  	v3 =	vand.u32 $0xF, v3;
	s3 =	sadd.s32 $0xA00, s10;
	s4 =	sadd.s32 $0xA10, s10;
	s5 =	sadd.s32 $0xA20, s10;
	v7 =	vcombine.low v1, v0;
	v6 =	vcombine.low v6, v4  }
0xd: {  	s6 =	sadd.s32 $0xA30, s10;
	s7 =	sadd.s32 $0xA40, s10;
	s8 =	sadd.s32 $0xA50, s10;
	v2 =	vcombine.low v3, v2;
	v3 =	vand.u32 $0xF, v5;
	v0 =	vlaneseq.u32  }
0xe: {  	s9 =	sadd.s32 $0xA60, s10;
	s10 =	sadd.s32 $0xA70, s10;
	s11 =	sadd.s32 $0x8A00, s0;
	v1 =	vadd.s32 $0x3D8, v0;
	v4 =	vand.u32 $0xF, v7;
	v5 =	vand.u32 $0xF, v6  }
.LBB2_1:
0xf: {  	[tilespmem:s2], [sflag:$0x1] =	stream.strided.gather [hbm4b:s3+s13], $0x400, s14, s13, $0x38;
	[tilespmem:$0x2080] =	vst v63  }
0x10: {  	_ = 	snop  }
0x11: {  	[tilespmem:s14], [sflag:$0x1] =	stream.strided.gather [hbm4b:s4+s13], $0x400, s14, s13, $0x38;
	[tilespmem:$0x2080] =	vst v63  }
0x12: {  	s0 =	simm.s32 $0x800  }
0x13: {  	[tilespmem:s0], [sflag:$0x1] =	stream.strided.gather [hbm4b:s5+s13], $0x400, s14, s13, $0x38;
	[tilespmem:$0x2080] =	vst v63  }
0x14: {  	s1 =	simm.s32 $0xC00  }
0x15: {  	[tilespmem:s1], [sflag:$0x1] =	stream.strided.gather [hbm4b:s6+s13], $0x400, s14, s13, $0x38;
	[tilespmem:$0x2080] =	vst v63  }
0x16: {  	s15 =	simm.s32 $0x1000  }
0x17: {  	[tilespmem:s15], [sflag:$0x1] =	stream.strided.gather [hbm4b:s7+s13], $0x400, s14, s13, $0x38;
	[tilespmem:$0x2080] =	vst v63  }
0x18: {  	_ = 	snop  }
0x19: {  	[tilespmem:s18], [sflag:$0x1] =	stream.strided.gather [hbm4b:s8+s13], $0x400, s14, s13, $0x38;
	[tilespmem:$0x2080] =	vst v63  }
0x1a: {  	_ = 	snop  }
0x1b: {  	[tilespmem:s19], [sflag:$0x1] =	stream.strided.gather [hbm4b:s9+s13], $0x400, s14, s13, $0x38;
	[tilespmem:$0x2080] =	vst v63  }
0x1c: {  	_ = 	snop  }
0x1d: {  	[tilespmem:s20], [sflag:$0x1] =	stream.strided.gather [hbm4b:s10+s13], $0x400, s14, s13, $0x38;
	[tilespmem:$0x2080] =	vst v63  }
0x1e: {  	_ =	swait.ge [sflag:s21], $0x400  }
0x1f: {  	[sflag:s21] =	ssyncset.done $0x0  }
0x20: {  	[sflag:s21] =	ssyncadd.s32 $0xFFFFFC00  }
0x21: {  	_ =	swait.ge [sflag:s21], $0x400  }
0x22: {  	[sflag:s21] =	ssyncset.done $0x0  }
0x23: {  	[sflag:s21] =	ssyncadd.s32 $0xFFFFFC00  }
0x24: {  	_ =	swait.ge [sflag:s21], $0x400  }
0x25: {  	[sflag:s21] =	ssyncset.done $0x0  }
0x26: {  	[sflag:s21] =	ssyncadd.s32 $0xFFFFFC00  }
0x27: {  	_ =	swait.ge [sflag:s21], $0x400  }
0x28: {  	[sflag:s21] =	ssyncset.done $0x0  }
0x29: {  	[sflag:s21] =	ssyncadd.s32 $0xFFFFFC00  }
0x2a: {  	_ =	swait.ge [sflag:s21], $0x400  }
0x2b: {  	[sflag:s21] =	ssyncset.done $0x0  }
0x2c: {  	[sflag:s21] =	ssyncadd.s32 $0xFFFFFC00  }
0x2d: {  	_ =	swait.ge [sflag:s21], $0x400  }
0x2e: {  	[sflag:s21] =	ssyncset.done $0x0  }
0x2f: {  	[sflag:s21] =	ssyncadd.s32 $0xFFFFFC00  }
0x30: {  	_ =	swait.ge [sflag:s21], $0x400  }
0x31: {  	[sflag:s21] =	ssyncset.done $0x0  }
0x32: {  	[sflag:s21] =	ssyncadd.s32 $0xFFFFFC00  }
0x33: {  	_ =	swait.ge [sflag:s21], $0x400  }
0x34: {  	[sflag:s21] =	ssyncset.done $0x0  }
0x35: {  	s16 =	simm.s32 $0x10;
	[sflag:s21] =	ssyncadd.s32 $0xFFFFFC00  }
0x36: {  	v8 =	vld [tilespmem:s16+$0x0]  }
0x37: {  	s25 =	simm.s32 $0x410;
	v9 =	vld [tilespmem:s16+$0xFFFFFFF0]  }
0x38: {  	s26 =	simm.s32 $0x810;
	v13 =	vld [tilespmem:s25+$0xFFFFFFF0]  }
0x39: {  	s28 =	simm.s32 $0xC10;
	v19 =	vld [tilespmem:s26+$0xFFFFFFF0]  }
0x3a: {  	v20 =	vld [tilespmem:s28+$0xFFFFFFF0]  }
0x3b: {  	s29 =	simm.s32 $0x1010;
	v14 =	vld [tilespmem:s25+$0x0]  }
0x3c: {  	v7 =	vimm.f32 $-Inf;
	v21 =	vld [tilespmem:s29+$0xFFFFFFF0]  }
0x3d: {  	v6 =	vimm.s32 $0x0;
	v12 =	vor.u32 s2, v0;
	s17 =	simm.s32 $0x10;
	v24 =	vimm.f32 $-Inf;
	v11 =	vld [tilespmem:s26+$0x0]  }
0x3e: {  	v23 =	vimm.f32 $-Inf;
	v10 =	vor.u32 s17, v0;
	v15 =	vld [tilespmem:s28+$0x0];
	vm8 =	vgt.f32 v9, v7  }
0x3f: {  	s30 =	simm.s32 $0x1410;
	v18 =	vld [tilespmem:s29+$0x0];
	vm9 =	vgt.f32 v13, v7;
	vm10 =	vgt.f32 v19, v7;
	vm13 =	vgt.f32 v20, v7  }
0x40: {  	s31 =	simm.s32 $0x1810;
	v26 =	vld [tilespmem:s30+$0xFFFFFFF0];
	v9 =	vsel vm8, v9, v7;
	v16 =	vsel vm9, v13, v7;
	v17 =	vsel vm9, v12, v6  }
0x41: {  	s0 =	simm.s32 $0x1C10;
	v30 =	vld [tilespmem:s31+$0xFFFFFFF0];
	v22 =	vsel vm8, v12, v6;
	vm9 =	vgt.f32 v21, v7;
	v27 =	vsel vm10, v19, v7  }
0x42: {  	v31 =	vld [tilespmem:s0+$0xFFFFFFF0];
	v28 =	vsel vm13, v20, v7;
	v20 =	vimm.s32 $0x0;
	v19 =	vimm.s32 $0x0  }
0x43: {  	v25 =	vld [tilespmem:s31+$0x0];
	vm14 =	vgt.f32 v8, v9;
	vm8 =	vgt.f32 v14, v16;
	v29 =	vsel vm9, v21, v7  }
0x44: {  	v32 =	vld [tilespmem:s0+$0x0];
	vm11 =	vgt.f32 v11, v27;
	vm12 =	vgt.f32 v15, v28;
	v21 =	vimm.s32 $0x0  }
0x45: {  	v13 =	vld [tilespmem:s30+$0x0];
	v9 =	vsel vm14, v8, v9;
	v16 =	vsel vm8, v14, v16;
	v17 =	vsel vm8, v10, v17  }
0x46: {  	s1 =	simm.s32 $0x0;
	s15 =	simm.s32 $0x30;
	s16 =	simm.s32 $0x0;
	vm8 =	vgt.f32 v18, v29;
	v14 =	vimm.s32 $0x0;
	v8 =	vimm.s32 $0x0  }
.LBB2_2:
0x47: {  	v33 =	vld [tilespmem:s15+$0x0];
	v27 =	vsel vm11, v11, v27;
	v28 =	vsel vm12, v15, v28;
	v29 =	vsel vm8, v18, v29;
	s25 =	sadd.s32 $0x20, s25  }
0x48: {  	vm15 =	vgt.f32 v26, v7;
	vm1 =	vgt.f32 v30, v24;
	s26 =	sadd.s32 $0x20, s26;
	v34 =	vld [tilespmem:s25+$0x0];
	vm2 =	vgt.f32 v31, v23  }
0x49: {  	s28 =	sadd.s32 $0x20, s28;
	v7 =	vsel vm15, v26, v7;
	v18 =	vsel vm1, v30, v24;
	v11 =	vld [tilespmem:s26+$0x0];
	v23 =	vsel vm2, v31, v23  }
0x4a: {  	vm3 =	vgt.f32 v13, v7;
	vm4 =	vgt.f32 v25, v18;
	v15 =	vld [tilespmem:s28+$0x0];
	vm5 =	vgt.f32 v32, v23  }
0x4b: {  	v7 =	vsel vm3, v13, v7;
	v24 =	vsel vm4, v25, v18;
	v26 =	vld [tilespmem:s15+$0xFFFFFFF0];
	v23 =	vsel vm5, v32, v23  }
0x4c: {  	s29 =	sadd.s32 $0x20, s29;
	v6 =	vsel vm15, v12, v6;
	v8 =	vsel vm2, v12, v8;
	v13 =	vsel vm1, v12, v14;
	v25 =	vld [tilespmem:s25+$0xFFFFFFF0]  }
0x4d: {  	v6 =	vsel vm3, v10, v6;
	v14 =	vsel vm4, v10, v13;
	v8 =	vsel vm5, v10, v8;
	v18 =	vld [tilespmem:s29+$0x0]  }
0x4e: {  	v21 =	vsel vm13, v12, v21;
	v13 =	vsel vm10, v12, v20;
	v12 =	vsel vm9, v12, v19;
	v32 =	vld [tilespmem:s26+$0xFFFFFFF0]  }
0x4f: {  	s16 =	sadd.s32 $0x20, s16;
	v21 =	vsel vm12, v10, v21;
	v20 =	vsel vm11, v10, v13;
	v19 =	vsel vm8, v10, v12;
	v35 =	vld [tilespmem:s28+$0xFFFFFFF0]  }
0x50: {  	v22 =	vsel vm14, v10, v22;
	s30 =	sadd.s32 $0x20, s30;
	s17 =	sadd.s32 $0x10, s16;
	v12 =	vor.u32 s16, v0;
	v36 =	vld [tilespmem:s29+$0xFFFFFFF0]  }
0x51: {  	s1 =	sadd.s32 $0x2, s1;
	v10 =	vor.u32 s17, v0;
	vm1 =	vgt.f32 v26, v9;
	vm2 =	vgt.f32 v25, v16;
	v13 =	vld [tilespmem:s30+$0x0]  }
0x52: {  	s31 =	sadd.s32 $0x20, s31;
	p0 =	slt.u32 s1, $0x3C;
	v9 =	vsel vm1, v26, v9;
	v16 =	vsel vm2, v25, v16;
	v17 =	vsel vm2, v12, v17;
	v26 =	vld [tilespmem:s30+$0xFFFFFFF0]  }
.Ltmp0:
0x53: {  	s0 =	sadd.s32 $0x20, s0;
	v22 =	vsel vm1, v12, v22;
	vm14 =	vgt.f32 v33, v9;
	v30 =	vld [tilespmem:s31+$0xFFFFFFF0];
	vm1 =	vgt.f32 v34, v16;
	(pc) =	sbr.rel @p0 .LBB2_2-.Ltmp0, $4  }
0x54: {  	v9 =	vsel vm14, v33, v9;
	v31 =	vld [tilespmem:s0+$0xFFFFFFF0];
	v16 =	vsel vm1, v34, v16;
	v17 =	vsel vm1, v10, v17  }
0x55: {  	vm10 =	vgt.f32 v32, v27;
	vm13 =	vgt.f32 v35, v28;
	vm9 =	vgt.f32 v36, v29;
	v25 =	vld [tilespmem:s31+$0x0]  }
0x56: {  	v27 =	vsel vm10, v32, v27;
	v28 =	vsel vm13, v35, v28;
	v29 =	vsel vm9, v36, v29;
	v32 =	vld [tilespmem:s0+$0x0]  }
0x57: {  	s15 =	sadd.s32 $0x20, s15;
	vm11 =	vgt.f32 v11, v27;
	vm12 =	vgt.f32 v15, v28;
	vm8 =	vgt.f32 v18, v29  }
0x58: {  	v33 =	vld [tilespmem:$0x3D8];
	_ =	sdelay $0x3  }
0x59: {  	v22 =	vsel vm14, v10, v22;
	vm2 =	vgt.f32 v26, v7;
	v20 =	vsel vm10, v12, v20  }
0x5a: {  	v21 =	vsel vm13, v12, v21;
	v7 =	vsel vm2, v26, v7;
	vm1 =	vgt.f32 v33, v9  }
0x5b: {  	v44 =	vsel vm2, v12, v6;
	v9 =	vsel vm1, v33, v9;
	v22 =	vsel vm1, v1, v22  }
0x5c: {  	vm4 =	vgt.f32 v31, v23;
	v33 =	vperm.xlane v9, v2;
	v34 =	vperm.xlane v22, v2  }
0x5d: {  	v6 =	vsel vm4, v31, v23;
	v46 =	vsel vm4, v12, v8;
	vm1 =	vgt.f32 v30, v24  }
0x5e: {  	v24 =	vsel vm1, v30, v24;
	vm2 =	veq.f32 v33, v9;
	vm3 =	vlt.s32 v34, v22  }
0x5f: {  	v45 =	vsel vm1, v12, v14;
	vm2 =	vmand vm2, vm3;
	vm3 =	vgt.f32 v33, v9  }
0x60: {  	vm1 =	vmor vm3, vm2;
	vm2 =	vgt.f32 v13, v7;
	vm3 =	vgt.f32 v25, v24  }
0x61: {  	v47 =	vsel vm1, v33, v9;
	v22 =	vsel vm1, v34, v22;
	vm1 =	vgt.f32 v32, v6  }
0x62: {  	v49 =	vld [tilespmem:$0x7D8];
	v13 =	vsel vm2, v13, v7;
	v33 =	vperm.xlane v47, v3;
	v34 =	vperm.xlane v22, v3  }
0x63: {  	v8 =	vsel vm3, v25, v24;
	v48 =	vsel vm2, v10, v44;
	v9 =	vsel vm3, v10, v45  }
0x64: {  	v6 =	vsel vm1, v32, v6;
	vm2 =	veq.f32 v33, v47;
	vm3 =	vlt.s32 v34, v22  }
0x65: {  	v7 =	vsel vm1, v10, v46;
	vm1 =	vmand vm2, vm3;
	vm2 =	vgt.f32 v33, v47  }
0x66: {  	v11 =	vsel vm11, v11, v27;
	v15 =	vsel vm12, v15, v28;
	vm1 =	vmor vm2, vm1  }
0x67: {  	v18 =	vsel vm8, v18, v29;
	vm2 =	vgt.f32 v49, v16;
	v51 =	vsel vm1, v33, v47  }
0x68: {  	v16 =	vsel vm2, v49, v16;
	v17 =	vsel vm2, v1, v17;
	v52 =	vperm.xlane v51, v4  }
0x69: {  	v22 =	vsel vm1, v34, v22;
	v24 =	vperm.xlane v16, v2;
	v53 =	vperm.xlane v17, v2  }
0x6a: {  	v50 =	vsel vm9, v12, v19;
	v20 =	vsel vm11, v10, v20;
	v54 =	vperm.xlane v22, v4  }
0x6b: {  	vm1 =	veq.f32 v52, v51;
	vm2 =	veq.f32 v24, v16;
	vm3 =	vlt.s32 v53, v17  }
0x6c: {  	vm4 =	vlt.s32 v54, v22;
	vm2 =	vmand vm2, vm3;
	vm3 =	vgt.f32 v24, v16  }
0x6d: {  	vm1 =	vmand vm1, vm4;
	vm4 =	vgt.f32 v52, v51;
	vm2 =	vmor vm3, vm2  }
0x6e: {  	v21 =	vsel vm12, v10, v21;
	vm1 =	vmor vm4, vm1;
	v16 =	vsel vm2, v24, v16  }
0x6f: {  	v55 =	vld [tilespmem:$0xBD8];
	v17 =	vsel vm2, v53, v17;
	v19 =	vsel vm1, v52, v51;
	v56 =	vperm.xlane v16, v3  }
0x70: {  	v57 =	vsel vm1, v54, v22;
	v25 =	vperm.xlane v17, v3;
	v58 =	vperm.xlane v19, v5  }
0x71: {  	v12 =	vsel vm8, v10, v50;
	v26 =	vperm.xlane v57, v5;
	vm1 =	veq.f32 v56, v16  }
0x72: {  	vm2 =	vlt.s32 v25, v17;
	vm3 =	vgt.f32 v58, v19;
	vm4 =	vgt.f32 v56, v16  }
0x73: {  	vm5 =	vlt.s32 v26, v57;
	vm1 =	vmand vm1, vm2;
	vm2 =	veq.f32 v58, v19  }
0x74: {  	vm1 =	vmor vm4, vm1;
	vm4 =	vgt.f32 v55, v11;
	vm2 =	vmand vm2, vm5  }
0x75: {  	v11 =	vsel vm4, v55, v11;
	v59 =	vsel vm4, v1, v20;
	v16 =	vsel vm1, v56, v16  }
0x76: {  	v17 =	vsel vm1, v25, v17;
	v60 =	vperm.xlane v11, v2;
	v61 =	vperm.xlane v59, v2  }
0x77: {  	v63 =	vld [tilespmem:$0xFD8];
	vm2 =	vmor vm3, vm2;
	v23 =	vperm.xlane v16, v4;
	v62 =	vperm.xlane v17, v4  }
0x78: {  	vm1 =	veq.f32 v60, v11;
	vm4 =	vlt.s32 v61, v59;
	vm3 =	vgt.f32 v60, v11  }
0x79: {  	vm5 =	vlt.s32 v62, v17;
	vm1 =	vmand vm1, vm4;
	vm4 =	veq.f32 v23, v16  }
0x7a: {  	vm1 =	vmor vm3, vm1;
	vm3 =	vgt.f32 v23, v16;
	vm4 =	vmand vm4, vm5  }
0x7b: {  	v11 =	vsel vm1, v60, v11;
	vm3 =	vmor vm3, vm4;
	v19 =	vsel vm1, v61, v59  }
0x7c: {  	vm4 =	vgt.f32 v63, v15;
	v20 =	vperm.xlane v11, v3;
	v16 =	vsel vm3, v23, v16  }
0x7d: {  	v22 =	vperm.xlane v19, v3;
	v17 =	vsel vm3, v62, v17;
	v15 =	vsel vm4, v63, v15  }
0x7e: {  	v21 =	vsel vm4, v1, v21;
	v23 =	vperm.xlane v16, v5;
	v28 =	vperm.xlane v15, v2  }
0x7f: {  	v10 =	vsel vm2, v26, v57;
	v29 =	vperm.xlane v21, v2;
	v30 =	vperm.xlane v17, v5  }
0x80: {  	vm1 =	vgt.f32 v20, v11;
	vm2 =	veq.f32 v20, v11;
	vm3 =	vlt.s32 v22, v19  }
0x81: {  	vm2 =	vmand vm2, vm3;
	vm3 =	vlt.s32 v29, v21;
	vm4 =	vgt.f32 v28, v15  }
0x82: {  	vm5 =	vgt.f32 v23, v16;
	vm1 =	vmor vm1, vm2;
	vm2 =	veq.f32 v23, v16  }
0x83: {  	v11 =	vsel vm1, v20, v11;
	v19 =	vsel vm1, v22, v19;
	vm1 =	veq.f32 v28, v15  }
0x84: {  	v31 =	vld [tilespmem:$0x13D8];
	v20 =	vperm.xlane v11, v4;
	vm1 =	vmand vm1, vm3;
	vm3 =	vlt.s32 v30, v17  }
0x85: {  	v22 =	vperm.xlane v19, v4;
	vm1 =	vmor vm4, vm1;
	vm2 =	vmand vm2, vm3  }
0x86: {  	vm4 =	veq.f32 v20, v11;
	v15 =	vsel vm1, v28, v15;
	v21 =	vsel vm1, v29, v21  }
0x87: {  	vm1 =	vlt.s32 v22, v19;
	vm3 =	vgt.f32 v20, v11;
	vm2 =	vmor vm5, vm2  }
0x88: {  	v24 =	vperm.xlane v15, v3;
	v25 =	vperm.xlane v21, v3;
	vm1 =	vmand vm4, vm1  }
0x89: {  	v33 =	vsel vm2, v30, v17;
	vm2 =	vgt.f32 v31, v18;
	vm1 =	vmor vm3, vm1  }
0x8a: {  	v18 =	vsel vm2, v31, v18;
	vm3 =	veq.f32 v24, v15;
	vm4 =	vlt.s32 v25, v21  }
0x8b: {  	v12 =	vsel vm2, v1, v12;
	vm3 =	vmand vm3, vm4;
	vm4 =	vgt.f32 v24, v15  }
0x8c: {  	v32 =	vsel vm1, v20, v11;
	v38 =	vperm.xlane v18, v2;
	vm3 =	vmor vm4, vm3  }
0x8d: {  	v39 =	vperm.xlane v12, v2;
	v15 =	vsel vm3, v24, v15;
	v35 =	vsel vm3, v25, v21  }
0x8e: {  	v19 =	vsel vm1, v22, v19;
	v36 =	vperm.xlane v15, v4;
	v37 =	vperm.xlane v35, v4  }
0x8f: {  	v34 =	vperm.xlane v32, v5;
	v40 =	vperm.xlane v19, v5;
	vm4 =	veq.f32 v38, v18  }
0x90: {  	vm5 =	vlt.s32 v39, v12;
	vm2 =	veq.f32 v36, v15;
	vm3 =	vlt.s32 v37, v35  }
0x91: {  	vm4 =	vmand vm4, vm5;
	vm2 =	vmand vm2, vm3;
	vm3 =	vgt.f32 v38, v18  }
0x92: {  	vm1 =	vgt.f32 v34, v32;
	vm5 =	veq.f32 v34, v32;
	vm3 =	vmor vm3, vm4  }
0x93: {  	v41 =	vsel vm3, v38, v18;
	v12 =	vsel vm3, v39, v12;
	vm3 =	vgt.f32 v36, v15  }
0x94: {  	v44 =	vld [tilespmem:$0x17D8];
	vm4 =	vlt.s32 v40, v19;
	vm2 =	vmor vm3, vm2;
	v42 =	vperm.xlane v41, v3  }
0x95: {  	v43 =	vperm.xlane v12, v3;
	vm3 =	vmand vm5, vm4;
	v15 =	vsel vm2, v36, v15  }
0x96: {  	v20 =	vsel vm2, v37, v35;
	vm1 =	vmor vm1, vm3;
	v21 =	vperm.xlane v15, v5  }
0x97: {  	vm2 =	veq.f32 v42, v41;
	vm4 =	vlt.s32 v43, v12;
	v23 =	vperm.xlane v20, v5  }
0x98: {  	vm5 =	vgt.f32 v42, v41;
	v19 =	vsel vm1, v40, v19;
	vm2 =	vmand vm2, vm4  }
0x99: {  	vm3 =	veq.f32 v21, v15;
	vm2 =	vmor vm5, vm2;
	vm5 =	vgt.f32 v44, v13  }
0x9a: {  	v16 =	vsel vm2, v42, v41;
	v13 =	vsel vm5, v44, v13;
	v14 =	vsel vm5, v1, v48  }
0x9b: {  	v12 =	vsel vm2, v43, v12;
	v45 =	vperm.xlane v13, v2;
	v46 =	vperm.xlane v14, v2  }
0x9c: {  	vm4 =	vlt.s32 v23, v20;
	v17 =	vperm.xlane v16, v4;
	v47 =	vperm.xlane v12, v4  }
0x9d: {  	vm1 =	vmand vm3, vm4;
	vm3 =	veq.f32 v45, v13;
	vm4 =	vlt.s32 v46, v14  }
0x9e: {  	vm2 =	veq.f32 v17, v16;
	vm5 =	vlt.s32 v47, v12;
	vm3 =	vmand vm3, vm4  }
0x9f: {  	vm4 =	vgt.f32 v45, v13;
	vm2 =	vmand vm2, vm5;
	vm5 =	vgt.f32 v21, v15  }
0xa0: {  	vm3 =	vmor vm4, vm3;
	vm4 =	vgt.f32 v17, v16;
	vm1 =	vmor vm5, vm1  }
0xa1: {  	v13 =	vsel vm3, v45, v13;
	v14 =	vsel vm3, v46, v14;
	vm2 =	vmor vm4, vm2  }
0xa2: {  	v50 =	vld [tilespmem:$0x1BD8];
	v48 =	vperm.xlane v13, v3;
	v49 =	vperm.xlane v14, v3;
	v16 =	vsel vm2, v17, v16  }
0xa3: {  	v20 =	vsel vm1, v23, v20;
	v12 =	vsel vm2, v47, v12;
	v51 =	vperm.xlane v16, v5  }
0xa4: {  	v52 =	vperm.xlane v12, v5;
	vm2 =	veq.f32 v48, v13;
	vm3 =	vlt.s32 v49, v14  }
0xa5: {  	vm4 =	vgt.f32 v48, v13;
	vm2 =	vmand vm2, vm3;
	vm1 =	vgt.f32 v51, v16  }
0xa6: {  	vm3 =	veq.f32 v51, v16;
	vm2 =	vmor vm4, vm2;
	vm4 =	vlt.s32 v52, v12  }
0xa7: {  	v13 =	vsel vm2, v48, v13;
	v14 =	vsel vm2, v49, v14;
	vm2 =	vgt.f32 v50, v8  }
0xa8: {  	v15 =	vperm.xlane v13, v4;
	v53 =	vperm.xlane v14, v4;
	v8 =	vsel vm2, v50, v8  }
0xa9: {  	v9 =	vsel vm2, v1, v9;
	vm2 =	vmand vm3, vm4;
	v17 =	vperm.xlane v8, v2  }
0xaa: {  	v55 =	vld [tilespmem:$0x1FD8];
	v54 =	vperm.xlane v9, v2;
	vm1 =	vmor vm1, vm2;
	vm2 =	veq.f32 v15, v13  }
0xab: {  	vm3 =	vlt.s32 v53, v14;
	vm5 =	vgt.f32 v15, v13;
	v12 =	vsel vm1, v52, v12  }
0xac: {  	vm2 =	vmand vm2, vm3;
	vm3 =	veq.f32 v17, v8;
	vm4 =	vlt.s32 v54, v9  }
0xad: {  	vm3 =	vmand vm3, vm4;
	vm4 =	vgt.f32 v17, v8;
	vm1 =	vmor vm5, vm2  }
0xae: {  	vm2 =	vmor vm4, vm3;
	v13 =	vsel vm1, v15, v13;
	v14 =	vsel vm1, v53, v14  }
0xaf: {  	vm1 =	vgt.f32 v55, v6;
	v8 =	vsel vm2, v17, v8;
	v15 =	vperm.xlane v13, v5  }
0xb0: {  	v9 =	vsel vm2, v54, v9;
	v57 =	vperm.xlane v14, v5;
	v6 =	vsel vm1, v55, v6  }
0xb1: {  	v7 =	vsel vm1, v1, v7;
	v56 =	vperm.xlane v8, v3;
	v18 =	vperm.xlane v9, v3  }
0xb2: {  	v21 =	vperm.xlane v6, v2;
	v58 =	vperm.xlane v7, v2  }
0xb3: {  	vm3 =	veq.f32 v15, v13;
	vm2 =	veq.f32 v56, v8;
	vm1 =	vlt.s32 v18, v9  }
0xb4: {  	vm4 =	vgt.f32 v56, v8;
	vm5 =	vgt.f32 v21, v6;
	vm1 =	vmand vm2, vm1  }
0xb5: {  	vm2 =	veq.f32 v21, v6;
	vm1 =	vmor vm4, vm1;
	vm4 =	vlt.s32 v58, v7  }
0xb6: {  	v8 =	vsel vm1, v56, v8;
	vm2 =	vmand vm2, vm4;
	v9 =	vsel vm1, v18, v9  }
0xb7: {  	v16 =	vperm.xlane v8, v4;
	vm1 =	vmor vm5, vm2;
	v18 =	vperm.xlane v9, v4  }
0xb8: {  	v6 =	vsel vm1, v21, v6;
	v7 =	vsel vm1, v58, v7;
	vm1 =	vlt.s32 v57, v14  }
0xb9: {  	v21 =	vperm.xlane v6, v3;
	v22 =	vperm.xlane v7, v3;
	vm1 =	vmand vm3, vm1  }
0xba: {  	vm2 =	veq.f32 v16, v8;
	vm3 =	vlt.s32 v18, v9;
	vm5 =	vgt.f32 v16, v8  }
0xbb: {  	vm2 =	vmand vm2, vm3;
	vm3 =	veq.f32 v21, v6;
	vm4 =	vlt.s32 v22, v7  }
0xbc: {  	v10 =	vnsel vm0, $0x0, v10;
	vm2 =	vmor vm5, vm2;
	vm3 =	vmand vm3, vm4  }
0xbd: {  	vm4 =	vgt.f32 v21, v6;
	v8 =	vsel vm2, v16, v8;
	v9 =	vsel vm2, v18, v9  }
0xbe: {  	vm3 =	vmor vm4, vm3;
	vm4 =	vcmask $0x320;
	v61 =	vperm.xlane v8, v5  }
0xbf: {  	v10 =	vsel vm4, v10, v33;
	v6 =	vsel vm3, v21, v6;
	v7 =	vsel vm3, v22, v7  }
0xc0: {  	vm4 =	vcmask $0x720;
	v59 =	vperm.xlane v6, v4;
	v60 =	vperm.xlane v7, v4  }
0xc1: {  	v62 =	vperm.xlane v9, v5;
	vm3 =	vgt.f32 v15, v13;
	v10 =	vsel vm4, v10, v19  }
0xc2: {  	vm1 =	vmor vm3, vm1;
	vm2 =	veq.f32 v59, v6;
	vm3 =	vlt.s32 v60, v7  }
0xc3: {  	vm4 =	vcmask $0xB20;
	vm2 =	vmand vm2, vm3;
	vm3 =	vgt.f32 v59, v6  }
0xc4: {  	v10 =	vsel vm4, v10, v20;
	v14 =	vsel vm1, v57, v14;
	vm2 =	vmor vm3, vm2  }
0xc5: {  	vm3 =	veq.f32 v61, v8;
	v6 =	vsel vm2, v59, v6;
	v7 =	vsel vm2, v60, v7  }
0xc6: {  	vm2 =	vlt.s32 v62, v9;
	v11 =	vperm.xlane v6, v5;
	v13 =	vperm.xlane v7, v5  }
0xc7: {  	vm1 =	vgt.f32 v61, v8;
	vm4 =	vcmask $0xF20;
	vm2 =	vmand vm3, vm2  }
0xc8: {  	vm1 =	vmor vm1, vm2;
	vm2 =	veq.f32 v11, v6;
	vm3 =	vlt.s32 v13, v7  }
0xc9: {  	v63 =	vsel vm4, v10, v12;
	vm2 =	vmand vm2, vm3;
	vm3 =	vgt.f32 v11, v6  }
0xca: {  	v6 =	vsel vm1, v62, v9;
	vm1 =	vmor vm3, vm2;
	vm2 =	vcmask $0x1320  }
0xcb: {  	v8 =	vsel vm2, v63, v14  }
0xcc: {  	s24 =	sadd.s32 $0x1, s24;
	v7 =	vsel vm1, v13, v7;
	v6 =	vsel vm6, v8, v6  }
0xcd: {  	p0 =	sne.s32 s24, s12;
	v6 =	vsel vm7, v6, v7  }
.Ltmp1:
0xce: {  	[tilespmem:$0x2000] =	vst v6;
	(pc) =	sbr.rel @p0 .LBB2_1-.Ltmp1, $4  }
0xcf: {  	[hbm4b:s11+s2] =	stream.linear.scatter [tilespmem:s22], [sflag:$0x2], $0x8, $0x38;
	[tilespmem:$0x2080] =	vst v63  }
0xd0: {  	_ =	swait.ge [sflag:s23], $0x8  }
0xd1: {  	[sflag:s23] =	ssyncset.done $0x0  }
0xd2: {  	[sflag:s23] =	ssyncadd.s32 $0xFFFFFFF8  }
0xd3: {  	_ =	sfence.sel $0x180000  }
0xd4: {  	[bflag:$0x0] =	sbarrier.arrive $0xFFFF  }
0xd5: {  	_ =	strace $0x90000047  }
0xd6: {  	s0 =	stileid.u32;
	[bflag:$0x2] =	sbarrier.arrive $0xFFFF  }
0xd7: {  	p0 =	sne.s32 s0, $0x0;
	s0 =	rddreg [dreg:$0x1]  }
0xd8: {  	s0 =	sadd.s32 @!p0 $0x100000, s0  }
0xd9: {  	[sflag:s0] =	ssyncadd.tile.s32 @!p0 $0x1;
	_ =	shalt  }
.Lfunc_end2:
_tile_overlayer_lowered:
.L_overlay_start_2:
0xda: {  	(tag) =	ssettag $0x2  }
0xdb: {  	s0 =	rddreg [dreg:$0x0];
	s2 =	stileid.u32  }
0xdc: {  	s1 =	rddreg [dreg:$0x1];
	p0 =	sne.s32 s2, $0x0  }
0xdd: {  	s3 =	rddreg [dreg:$0x2];
	[bflag:$0x3] =	sbarrier.arrive $0xFFFF;
	s2 =	simm.s32 @!p0 $0x1C02  }
0xde: {  	[timem:s3], [sflag:s2] =	dma.local @!p0 [hbm:s0], s1  }
0xdf: {  	s0 =	simm.s32 @!p0 $0x2  }
0xe0: {  	_ =	swait.ge @!p0 [sflag:s0], s1  }
0xe1: {  	s1 =	ssub.s32 @!p0 $0x0, s1;
	[sflag:s0] =	ssyncset.done @!p0 $0x0  }
0xe2: {  	[sflag:s0] =	ssyncadd.s32 @!p0 s1  }
0xe3: {  	[bflag:$0x3] =	sbarrier.arrive $0xFFFF  }
0xe4: {  	_ =	shalt  }

</sc_bundles>
